<compile_context>
chip_gen: v7x
topology: tpu7x:2x2x1
jax: 0.10.2.dev20260603
libtpu: 0.0.44.dev20260713+nightly
codegen_flags: <defaults>
</compile_context>

<pallas_src>
import functools

import jax
import jax.numpy as jnp
from jax import lax
from jax.experimental import pallas as pl
from jax.experimental.pallas import tpu as pltpu
from jax.experimental.pallas import tpu_sc as plsc

VOCAB = 1000000
DIM = 64
DPAD = 128
B = 4096
L = 200

NC = 2
NS = 16
NW = NC * NS

ROWS_W = B // NW
RCH = 4
N_OUTER = ROWS_W // RCH
SPLIT = 128
REST = L - SPLIT

_mesh = plsc.VectorSubcoreMesh(core_axis_name="c", subcore_axis_name="s")


@functools.partial(
    pl.kernel,
    mesh=_mesh,
    out_type=jax.ShapeDtypeStruct((B, L, DPAD), jnp.float32),
    scratch_types=[
        pltpu.VMEM((ROWS_W, L), jnp.int32),
        pltpu.VMEM((RCH, L, DIM), jnp.float32),
        pltpu.VMEM((RCH, L, DIM), jnp.float32),
        pltpu.SemaphoreType.DMA,
        pltpu.SemaphoreType.DMA,
        pltpu.SemaphoreType.DMA,
    ],
    compiler_params=pltpu.CompilerParams(use_tc_tiling_on_sc=False),
)
def _emb_lookup(x_hbm, table_hbm, out_hbm, idx_v, rows0, rows1, gsem, osem0, osem1):
    wid = lax.axis_index("s") * NC + lax.axis_index("c")
    row0 = wid * ROWS_W
    bufs = [(rows0, osem0), (rows1, osem1)]
    pltpu.sync_copy(x_hbm.at[pl.ds(row0, ROWS_W)], idx_v)

    def out_window(c):
        return out_hbm.at[pl.ds(row0 + c * RCH, RCH), :, pl.ds(0, DIM)]

    def do_chunk(c, rows_v, osem, first):
        if not first:
            pltpu.make_async_copy(rows_v, out_window(c - 2), osem).wait()
        cps = []
        for j in range(RCH):
            cps.append(pltpu.async_copy(
                table_hbm.at[idx_v.at[c * RCH + j, pl.ds(0, SPLIT)]],
                rows_v.at[j, pl.ds(0, SPLIT)],
                gsem,
            ))
            cps.append(pltpu.async_copy(
                table_hbm.at[idx_v.at[c * RCH + j, pl.ds(SPLIT, REST)]],
                rows_v.at[j, pl.ds(SPLIT, REST)],
                gsem,
            ))
        for cp in cps:
            cp.wait()
        pltpu.async_copy(rows_v, out_window(c), osem)

    for b in range(2):
        do_chunk(b, *bufs[b], True)

    def super_step(s, carry):
        for b in range(2):
            do_chunk(2 * s + b, *bufs[b], False)
        return carry

    lax.fori_loop(1, N_OUTER // 2, super_step, 0)
    for b in range(2):
        rows_v, osem = bufs[b]
        pltpu.make_async_copy(rows_v, out_window(N_OUTER - 2 + b), osem).wait()


def kernel(x, table):
    out128 = _emb_lookup(x, table)
    return out128[:, :, :DIM]

# --- scband reference (transcript-rebuilt; emitter-appended) ---
"""Pipeline reference for scband-embedding-57690000720040 (READ-ONLY COPY).

The authoritative reference and input builder live on the scoring server;
editing this copy changes nothing except your own understanding.
"""

import jax, jax.numpy as jnp
import numpy as np

VOCAB = 1000000
DIM = 64
B = 4096
L = 200


def setup_inputs(seed: int = 0) -> dict:
    key = jax.random.key(seed)
    k1, k2 = jax.random.split(key)
    x = jax.random.randint(k1, (B, L), 0, VOCAB, dtype=jnp.int64 if jax.config.jax_enable_x64 else jnp.int32)
    table = jax.random.normal(k2, (VOCAB, DIM), dtype=jnp.float32) * 0.02
    return {"x": x, "table": table}


def reference(x, table):
    # nn.Embedding forward: gather rows of the embedding table
    return jnp.take(table, x, axis=0)

if __name__ == "__main__":
    import jax
    _d = setup_inputs()
    print(jax.jit(kernel)(*tuple(_d.values())))

</pallas_src>

<mosaic_0001>
#map = affine_map<(d0, d1) -> (0, 0)>
#map1 = affine_map<(d0, d1) -> (0, 0, 0)>
module attributes {stable_mosaic.version = 14 : i64} {
  func.func @_emb_lookup(%arg0: i32, %arg1: i32, %arg2: memref<4096x200xi32, #tpu.memory_space<hbm>>, %arg3: memref<1000000x64xf32, #tpu.memory_space<hbm>>, %arg4: memref<4096x200x128xf32, #tpu.memory_space<hbm>>, %arg5: memref<128x200xi32, #tpu.memory_space<vmem>>, %arg6: memref<4x200x64xf32, #tpu.memory_space<vmem>>, %arg7: memref<4x200x64xf32, #tpu.memory_space<vmem>>, %arg8: memref<!tpu.dma_semaphore, #tpu.memory_space<semaphore_mem>>, %arg9: memref<!tpu.dma_semaphore, #tpu.memory_space<semaphore_mem>>, %arg10: memref<!tpu.dma_semaphore, #tpu.memory_space<semaphore_mem>>) attributes {dimension_semantics = [#tpu.dimension_semantics<core_parallel>, #tpu.dimension_semantics<subcore_parallel>], iteration_bounds = array<i64: 2, 16>, scalar_prefetch = 0 : i64, scratch_operands = 6 : i64, tpu.core_type = #tpu.core_type<sc_vector_subcore>, window_params = [{transform_indices = #map}, {transform_indices = #map}, {transform_indices = #map1}]} {
    %mul3A = arith.constant 2 : i32
    %mul3A_0 = arith.muli %arg1, %mul3A : i32
    %add3A = arith.addi %mul3A_0, %arg0 : i32
    %mul3A_1 = arith.constant 128 : i32
    %mul3A_2 = arith.muli %add3A, %mul3A_1 : i32
    "tpu.region"() ({
      %run_scoped3A = tpu.sem_alloc : memref<!tpu.dma_semaphore, #tpu.memory_space<semaphore_mem>>
      %dma_start3A_422 = arith.constant 0 : i32
      %dma_start3A_423 = tpu.memref_slice %arg2[%mul3A_2, %dma_start3A_422] : memref<4096x200xi32, #tpu.memory_space<hbm>> -> memref<128x200xi32, #tpu.memory_space<hbm>>
      %dma_start3A_424 = arith.constant 0 : i32
      %dma_start3A_425 = tpu.memref_slice %arg2[%mul3A_2, %dma_start3A_424] : memref<4096x200xi32, #tpu.memory_space<hbm>> -> memref<128x200xi32, #tpu.memory_space<hbm>>
      tpu.enqueue_dma source(%dma_start3A_425 : memref<128x200xi32, #tpu.memory_space<hbm>>) target(%arg5 : memref<128x200xi32, #tpu.memory_space<vmem>>) target_semaphore(%run_scoped3A : memref<!tpu.dma_semaphore, #tpu.memory_space<semaphore_mem>>)
      %dma_wait3A_426 = arith.constant 0 : i32
      %dma_wait3A_427 = tpu.memref_slice %arg2[%mul3A_2, %dma_wait3A_426] : memref<4096x200xi32, #tpu.memory_space<hbm>> -> memref<128x200xi32, #tpu.memory_space<hbm>>
      %dma_wait3A_428 = arith.constant 0 : i32
      %dma_wait3A_429 = tpu.memref_slice %arg2[%mul3A_2, %dma_wait3A_428] : memref<4096x200xi32, #tpu.memory_space<hbm>> -> memref<128x200xi32, #tpu.memory_space<hbm>>
      tpu.wait_dma2 semaphore(%run_scoped3A : memref<!tpu.dma_semaphore, #tpu.memory_space<semaphore_mem>>) src(%dma_wait3A_429 : memref<128x200xi32, #tpu.memory_space<hbm>>) dst(%arg5 : memref<128x200xi32, #tpu.memory_space<vmem>>)
      tpu.yield
    }) : () -> ()
    %dma_start3A = arith.constant 0 : i32
    %dma_start3A_3 = arith.constant 0 : i32
    %dma_start3A_4 = arith.constant 0 : i32
    %dma_start3A_5 = arith.constant 0 : i32
    %dma_start3A_6 = tpu.memref_slice %arg6[%dma_start3A_3, %dma_start3A_4, %dma_start3A_5] : memref<4x200x64xf32, #tpu.memory_space<vmem>> -> memref<1x128x64xf32, #tpu.memory_space<vmem>>
    %dma_start3A_7 = tpu.memref_squeeze %dma_start3A_6 : memref<1x128x64xf32, #tpu.memory_space<vmem>> -> memref<128x64xf32, #tpu.memory_space<vmem>>
    %dma_start3A_8 = arith.constant 0 : i32
    %dma_start3A_9 = tpu.memref_slice %arg5[%dma_start3A, %dma_start3A_8] : memref<128x200xi32, #tpu.memory_space<vmem>> -> memref<1x128xi32, #tpu.memory_space<vmem>>
    %dma_start3A_10 = tpu.memref_squeeze %dma_start3A_9 : memref<1x128xi32, #tpu.memory_space<vmem>> -> memref<128xi32, #tpu.memory_space<vmem>>
    %dma_start3A_11 = arith.constant 0 : i32
    %dma_start3A_12 = arith.constant 0 : i32
    %dma_start3A_13 = tpu.memref_slice %arg3[%dma_start3A_11, %dma_start3A_12] : memref<1000000x64xf32, #tpu.memory_space<hbm>> -> memref<1000000x64xf32, #tpu.memory_space<hbm>>
    tpu.enqueue_indirect_dma source(%dma_start3A_13 : memref<1000000x64xf32, #tpu.memory_space<hbm>>) target(%dma_start3A_7 : memref<128x64xf32, #tpu.memory_space<vmem>>) offsets(%dma_start3A_10 : memref<128xi32, #tpu.memory_space<vmem>>) semaphore(%arg8 : memref<!tpu.dma_semaphore, #tpu.memory_space<semaphore_mem>>)
    %dma_start3A_14 = arith.constant 0 : i32
    %dma_start3A_15 = arith.constant 0 : i32
    %dma_start3A_16 = arith.constant 128 : i32
    %dma_start3A_17 = arith.constant 0 : i32
    %dma_start3A_18 = tpu.memref_slice %arg6[%dma_start3A_15, %dma_start3A_16, %dma_start3A_17] : memref<4x200x64xf32, #tpu.memory_space<vmem>> -> memref<1x72x64xf32, #tpu.memory_space<vmem>>
    %dma_start3A_19 = tpu.memref_squeeze %dma_start3A_18 : memref<1x72x64xf32, #tpu.memory_space<vmem>> -> memref<72x64xf32, #tpu.memory_space<vmem>>
    %dma_start3A_20 = arith.constant 128 : i32
    %dma_start3A_21 = tpu.memref_slice %arg5[%dma_start3A_14, %dma_start3A_20] : memref<128x200xi32, #tpu.memory_space<vmem>> -> memref<1x72xi32, #tpu.memory_space<vmem>>
    %dma_start3A_22 = tpu.memref_squeeze %dma_start3A_21 : memref<1x72xi32, #tpu.memory_space<vmem>> -> memref<72xi32, #tpu.memory_space<vmem>>
    %dma_start3A_23 = arith.constant 0 : i32
    %dma_start3A_24 = arith.constant 0 : i32
    %dma_start3A_25 = tpu.memref_slice %arg3[%dma_start3A_23, %dma_start3A_24] : memref<1000000x64xf32, #tpu.memory_space<hbm>> -> memref<1000000x64xf32, #tpu.memory_space<hbm>>
    tpu.enqueue_indirect_dma source(%dma_start3A_25 : memref<1000000x64xf32, #tpu.memory_space<hbm>>) target(%dma_start3A_19 : memref<72x64xf32, #tpu.memory_space<vmem>>) offsets(%dma_start3A_22 : memref<72xi32, #tpu.memory_space<vmem>>) semaphore(%arg8 : memref<!tpu.dma_semaphore, #tpu.memory_space<semaphore_mem>>)
    %dma_start3A_26 = arith.constant 1 : i32
    %dma_start3A_27 = arith.constant 1 : i32
    %dma_start3A_28 = arith.constant 0 : i32
    %dma_start3A_29 = arith.constant 0 : i32
    %dma_start3A_30 = tpu.memref_slice %arg6[%dma_start3A_27, %dma_start3A_28, %dma_start3A_29] : memref<4x200x64xf32, #tpu.memory_space<vmem>> -> memref<1x128x64xf32, #tpu.memory_space<vmem>>
    %dma_start3A_31 = tpu.memref_squeeze %dma_start3A_30 : memref<1x128x64xf32, #tpu.memory_space<vmem>> -> memref<128x64xf32, #tpu.memory_space<vmem>>
    %dma_start3A_32 = arith.constant 0 : i32
    %dma_start3A_33 = tpu.memref_slice %arg5[%dma_start3A_26, %dma_start3A_32] : memref<128x200xi32, #tpu.memory_space<vmem>> -> memref<1x128xi32, #tpu.memory_space<vmem>>
    %dma_start3A_34 = tpu.memref_squeeze %dma_start3A_33 : memref<1x128xi32, #tpu.memory_space<vmem>> -> memref<128xi32, #tpu.memory_space<vmem>>
    %dma_start3A_35 = arith.constant 0 : i32
    %dma_start3A_36 = arith.constant 0 : i32
    %dma_start3A_37 = tpu.memref_slice %arg3[%dma_start3A_35, %dma_start3A_36] : memref<1000000x64xf32, #tpu.memory_space<hbm>> -> memref<1000000x64xf32, #tpu.memory_space<hbm>>
    tpu.enqueue_indirect_dma source(%dma_start3A_37 : memref<1000000x64xf32, #tpu.memory_space<hbm>>) target(%dma_start3A_31 : memref<128x64xf32, #tpu.memory_space<vmem>>) offsets(%dma_start3A_34 : memref<128xi32, #tpu.memory_space<vmem>>) semaphore(%arg8 : memref<!tpu.dma_semaphore, #tpu.memory_space<semaphore_mem>>)
    %dma_start3A_38 = arith.constant 1 : i32
    %dma_start3A_39 = arith.constant 1 : i32
    %dma_start3A_40 = arith.constant 128 : i32
    %dma_start3A_41 = arith.constant 0 : i32
    %dma_start3A_42 = tpu.memref_slice %arg6[%dma_start3A_39, %dma_start3A_40, %dma_start3A_41] : memref<4x200x64xf32, #tpu.memory_space<vmem>> -> memref<1x72x64xf32, #tpu.memory_space<vmem>>
    %dma_start3A_43 = tpu.memref_squeeze %dma_start3A_42 : memref<1x72x64xf32, #tpu.memory_space<vmem>> -> memref<72x64xf32, #tpu.memory_space<vmem>>
    %dma_start3A_44 = arith.constant 128 : i32
    %dma_start3A_45 = tpu.memref_slice %arg5[%dma_start3A_38, %dma_start3A_44] : memref<128x200xi32, #tpu.memory_space<vmem>> -> memref<1x72xi32, #tpu.memory_space<vmem>>
    %dma_start3A_46 = tpu.memref_squeeze %dma_start3A_45 : memref<1x72xi32, #tpu.memory_space<vmem>> -> memref<72xi32, #tpu.memory_space<vmem>>
    %dma_start3A_47 = arith.constant 0 : i32
    %dma_start3A_48 = arith.constant 0 : i32
    %dma_start3A_49 = tpu.memref_slice %arg3[%dma_start3A_47, %dma_start3A_48] : memref<1000000x64xf32, #tpu.memory_space<hbm>> -> memref<1000000x64xf32, #tpu.memory_space<hbm>>
    tpu.enqueue_indirect_dma source(%dma_start3A_49 : memref<1000000x64xf32, #tpu.memory_space<hbm>>) target(%dma_start3A_43 : memref<72x64xf32, #tpu.memory_space<vmem>>) offsets(%dma_start3A_46 : memref<72xi32, #tpu.memory_space<vmem>>) semaphore(%arg8 : memref<!tpu.dma_semaphore, #tpu.memory_space<semaphore_mem>>)
    %dma_start3A_50 = arith.constant 2 : i32
    %dma_start3A_51 = arith.constant 2 : i32
    %dma_start3A_52 = arith.constant 0 : i32
    %dma_start3A_53 = arith.constant 0 : i32
    %dma_start3A_54 = tpu.memref_slice %arg6[%dma_start3A_51, %dma_start3A_52, %dma_start3A_53] : memref<4x200x64xf32, #tpu.memory_space<vmem>> -> memref<1x128x64xf32, #tpu.memory_space<vmem>>
    %dma_start3A_55 = tpu.memref_squeeze %dma_start3A_54 : memref<1x128x64xf32, #tpu.memory_space<vmem>> -> memref<128x64xf32, #tpu.memory_space<vmem>>
    %dma_start3A_56 = arith.constant 0 : i32
    %dma_start3A_57 = tpu.memref_slice %arg5[%dma_start3A_50, %dma_start3A_56] : memref<128x200xi32, #tpu.memory_space<vmem>> -> memref<1x128xi32, #tpu.memory_space<vmem>>
    %dma_start3A_58 = tpu.memref_squeeze %dma_start3A_57 : memref<1x128xi32, #tpu.memory_space<vmem>> -> memref<128xi32, #tpu.memory_space<vmem>>
    %dma_start3A_59 = arith.constant 0 : i32
    %dma_start3A_60 = arith.constant 0 : i32
    %dma_start3A_61 = tpu.memref_slice %arg3[%dma_start3A_59, %dma_start3A_60] : memref<1000000x64xf32, #tpu.memory_space<hbm>> -> memref<1000000x64xf32, #tpu.memory_space<hbm>>
    tpu.enqueue_indirect_dma source(%dma_start3A_61 : memref<1000000x64xf32, #tpu.memory_space<hbm>>) target(%dma_start3A_55 : memref<128x64xf32, #tpu.memory_space<vmem>>) offsets(%dma_start3A_58 : memref<128xi32, #tpu.memory_space<vmem>>) semaphore(%arg8 : memref<!tpu.dma_semaphore, #tpu.memory_space<semaphore_mem>>)
    %dma_start3A_62 = arith.constant 2 : i32
    %dma_start3A_63 = arith.constant 2 : i32
    %dma_start3A_64 = arith.constant 128 : i32
    %dma_start3A_65 = arith.constant 0 : i32
    %dma_start3A_66 = tpu.memref_slice %arg6[%dma_start3A_63, %dma_start3A_64, %dma_start3A_65] : memref<4x200x64xf32, #tpu.memory_space<vmem>> -> memref<1x72x64xf32, #tpu.memory_space<vmem>>
    %dma_start3A_67 = tpu.memref_squeeze %dma_start3A_66 : memref<1x72x64xf32, #tpu.memory_space<vmem>> -> memref<72x64xf32, #tpu.memory_space<vmem>>
    %dma_start3A_68 = arith.constant 128 : i32
    %dma_start3A_69 = tpu.memref_slice %arg5[%dma_start3A_62, %dma_start3A_68] : memref<128x200xi32, #tpu.memory_space<vmem>> -> memref<1x72xi32, #tpu.memory_space<vmem>>
    %dma_start3A_70 = tpu.memref_squeeze %dma_start3A_69 : memref<1x72xi32, #tpu.memory_space<vmem>> -> memref<72xi32, #tpu.memory_space<vmem>>
    %dma_start3A_71 = arith.constant 0 : i32
    %dma_start3A_72 = arith.constant 0 : i32
    %dma_start3A_73 = tpu.memref_slice %arg3[%dma_start3A_71, %dma_start3A_72] : memref<1000000x64xf32, #tpu.memory_space<hbm>> -> memref<1000000x64xf32, #tpu.memory_space<hbm>>
    tpu.enqueue_indirect_dma source(%dma_start3A_73 : memref<1000000x64xf32, #tpu.memory_space<hbm>>) target(%dma_start3A_67 : memref<72x64xf32, #tpu.memory_space<vmem>>) offsets(%dma_start3A_70 : memref<72xi32, #tpu.memory_space<vmem>>) semaphore(%arg8 : memref<!tpu.dma_semaphore, #tpu.memory_space<semaphore_mem>>)
    %dma_start3A_74 = arith.constant 3 : i32
    %dma_start3A_75 = arith.constant 3 : i32
    %dma_start3A_76 = arith.constant 0 : i32
    %dma_start3A_77 = arith.constant 0 : i32
    %dma_start3A_78 = tpu.memref_slice %arg6[%dma_start3A_75, %dma_start3A_76, %dma_start3A_77] : memref<4x200x64xf32, #tpu.memory_space<vmem>> -> memref<1x128x64xf32, #tpu.memory_space<vmem>>
    %dma_start3A_79 = tpu.memref_squeeze %dma_start3A_78 : memref<1x128x64xf32, #tpu.memory_space<vmem>> -> memref<128x64xf32, #tpu.memory_space<vmem>>
    %dma_start3A_80 = arith.constant 0 : i32
    %dma_start3A_81 = tpu.memref_slice %arg5[%dma_start3A_74, %dma_start3A_80] : memref<128x200xi32, #tpu.memory_space<vmem>> -> memref<1x128xi32, #tpu.memory_space<vmem>>
    %dma_start3A_82 = tpu.memref_squeeze %dma_start3A_81 : memref<1x128xi32, #tpu.memory_space<vmem>> -> memref<128xi32, #tpu.memory_space<vmem>>
    %dma_start3A_83 = arith.constant 0 : i32
    %dma_start3A_84 = arith.constant 0 : i32
    %dma_start3A_85 = tpu.memref_slice %arg3[%dma_start3A_83, %dma_start3A_84] : memref<1000000x64xf32, #tpu.memory_space<hbm>> -> memref<1000000x64xf32, #tpu.memory_space<hbm>>
    tpu.enqueue_indirect_dma source(%dma_start3A_85 : memref<1000000x64xf32, #tpu.memory_space<hbm>>) target(%dma_start3A_79 : memref<128x64xf32, #tpu.memory_space<vmem>>) offsets(%dma_start3A_82 : memref<128xi32, #tpu.memory_space<vmem>>) semaphore(%arg8 : memref<!tpu.dma_semaphore, #tpu.memory_space<semaphore_mem>>)
    %dma_start3A_86 = arith.constant 3 : i32
    %dma_start3A_87 = arith.constant 3 : i32
    %dma_start3A_88 = arith.constant 128 : i32
    %dma_start3A_89 = arith.constant 0 : i32
    %dma_start3A_90 = tpu.memref_slice %arg6[%dma_start3A_87, %dma_start3A_88, %dma_start3A_89] : memref<4x200x64xf32, #tpu.memory_space<vmem>> -> memref<1x72x64xf32, #tpu.memory_space<vmem>>
    %dma_start3A_91 = tpu.memref_squeeze %dma_start3A_90 : memref<1x72x64xf32, #tpu.memory_space<vmem>> -> memref<72x64xf32, #tpu.memory_space<vmem>>
    %dma_start3A_92 = arith.constant 128 : i32
    %dma_start3A_93 = tpu.memref_slice %arg5[%dma_start3A_86, %dma_start3A_92] : memref<128x200xi32, #tpu.memory_space<vmem>> -> memref<1x72xi32, #tpu.memory_space<vmem>>
    %dma_start3A_94 = tpu.memref_squeeze %dma_start3A_93 : memref<1x72xi32, #tpu.memory_space<vmem>> -> memref<72xi32, #tpu.memory_space<vmem>>
    %dma_start3A_95 = arith.constant 0 : i32
    %dma_start3A_96 = arith.constant 0 : i32
    %dma_start3A_97 = tpu.memref_slice %arg3[%dma_start3A_95, %dma_start3A_96] : memref<1000000x64xf32, #tpu.memory_space<hbm>> -> memref<1000000x64xf32, #tpu.memory_space<hbm>>
    tpu.enqueue_indirect_dma source(%dma_start3A_97 : memref<1000000x64xf32, #tpu.memory_space<hbm>>) target(%dma_start3A_91 : memref<72x64xf32, #tpu.memory_space<vmem>>) offsets(%dma_start3A_94 : memref<72xi32, #tpu.memory_space<vmem>>) semaphore(%arg8 : memref<!tpu.dma_semaphore, #tpu.memory_space<semaphore_mem>>)
    %dma_wait3A = arith.constant 0 : i32
    %dma_wait3A_98 = arith.constant 0 : i32
    %dma_wait3A_99 = arith.constant 0 : i32
    %dma_wait3A_100 = arith.constant 0 : i32
    %dma_wait3A_101 = tpu.memref_slice %arg6[%dma_wait3A_98, %dma_wait3A_99, %dma_wait3A_100] : memref<4x200x64xf32, #tpu.memory_space<vmem>> -> memref<1x128x64xf32, #tpu.memory_space<vmem>>
    %dma_wait3A_102 = tpu.memref_squeeze %dma_wait3A_101 : memref<1x128x64xf32, #tpu.memory_space<vmem>> -> memref<128x64xf32, #tpu.memory_space<vmem>>
    %dma_wait3A_103 = arith.constant 0 : i32
    %dma_wait3A_104 = tpu.memref_slice %arg5[%dma_wait3A, %dma_wait3A_103] : memref<128x200xi32, #tpu.memory_space<vmem>> -> memref<1x128xi32, #tpu.memory_space<vmem>>
    %dma_wait3A_105 = tpu.memref_squeeze %dma_wait3A_104 : memref<1x128xi32, #tpu.memory_space<vmem>> -> memref<128xi32, #tpu.memory_space<vmem>>
    %dma_wait3A_106 = arith.constant 0 : i32
    %dma_wait3A_107 = arith.constant 0 : i32
    %dma_wait3A_108 = tpu.memref_slice %arg3[%dma_wait3A_106, %dma_wait3A_107] : memref<1000000x64xf32, #tpu.memory_space<hbm>> -> memref<1000000x64xf32, #tpu.memory_space<hbm>>
    tpu.wait_indirect_dma semaphore(%arg8 : memref<!tpu.dma_semaphore, #tpu.memory_space<semaphore_mem>>) src(%dma_wait3A_108 : memref<1000000x64xf32, #tpu.memory_space<hbm>>) dst(%dma_wait3A_102 : memref<128x64xf32, #tpu.memory_space<vmem>>)
    %dma_wait3A_109 = arith.constant 0 : i32
    %dma_wait3A_110 = arith.constant 0 : i32
    %dma_wait3A_111 = arith.constant 128 : i32
    %dma_wait3A_112 = arith.constant 0 : i32
    %dma_wait3A_113 = tpu.memref_slice %arg6[%dma_wait3A_110, %dma_wait3A_111, %dma_wait3A_112] : memref<4x200x64xf32, #tpu.memory_space<vmem>> -> memref<1x72x64xf32, #tpu.memory_space<vmem>>
    %dma_wait3A_114 = tpu.memref_squeeze %dma_wait3A_113 : memref<1x72x64xf32, #tpu.memory_space<vmem>> -> memref<72x64xf32, #tpu.memory_space<vmem>>
    %dma_wait3A_115 = arith.constant 128 : i32
    %dma_wait3A_116 = tpu.memref_slice %arg5[%dma_wait3A_109, %dma_wait3A_115] : memref<128x200xi32, #tpu.memory_space<vmem>> -> memref<1x72xi32, #tpu.memory_space<vmem>>
    %dma_wait3A_117 = tpu.memref_squeeze %dma_wait3A_116 : memref<1x72xi32, #tpu.memory_space<vmem>> -> memref<72xi32, #tpu.memory_space<vmem>>
    %dma_wait3A_118 = arith.constant 0 : i32
    %dma_wait3A_119 = arith.constant 0 : i32
    %dma_wait3A_120 = tpu.memref_slice %arg3[%dma_wait3A_118, %dma_wait3A_119] : memref<1000000x64xf32, #tpu.memory_space<hbm>> -> memref<1000000x64xf32, #tpu.memory_space<hbm>>
    tpu.wait_indirect_dma semaphore(%arg8 : memref<!tpu.dma_semaphore, #tpu.memory_space<semaphore_mem>>) src(%dma_wait3A_120 : memref<1000000x64xf32, #tpu.memory_space<hbm>>) dst(%dma_wait3A_114 : memref<72x64xf32, #tpu.memory_space<vmem>>)
    %dma_wait3A_121 = arith.constant 1 : i32
    %dma_wait3A_122 = arith.constant 1 : i32
    %dma_wait3A_123 = arith.constant 0 : i32
    %dma_wait3A_124 = arith.constant 0 : i32
    %dma_wait3A_125 = tpu.memref_slice %arg6[%dma_wait3A_122, %dma_wait3A_123, %dma_wait3A_124] : memref<4x200x64xf32, #tpu.memory_space<vmem>> -> memref<1x128x64xf32, #tpu.memory_space<vmem>>
    %dma_wait3A_126 = tpu.memref_squeeze %dma_wait3A_125 : memref<1x128x64xf32, #tpu.memory_space<vmem>> -> memref<128x64xf32, #tpu.memory_space<vmem>>
    %dma_wait3A_127 = arith.constant 0 : i32
    %dma_wait3A_128 = tpu.memref_slice %arg5[%dma_wait3A_121, %dma_wait3A_127] : memref<128x200xi32, #tpu.memory_space<vmem>> -> memref<1x128xi32, #tpu.memory_space<vmem>>
    %dma_wait3A_129 = tpu.memref_squeeze %dma_wait3A_128 : memref<1x128xi32, #tpu.memory_space<vmem>> -> memref<128xi32, #tpu.memory_space<vmem>>
    %dma_wait3A_130 = arith.constant 0 : i32
    %dma_wait3A_131 = arith.constant 0 : i32
    %dma_wait3A_132 = tpu.memref_slice %arg3[%dma_wait3A_130, %dma_wait3A_131] : memref<1000000x64xf32, #tpu.memory_space<hbm>> -> memref<1000000x64xf32, #tpu.memory_space<hbm>>
    tpu.wait_indirect_dma semaphore(%arg8 : memref<!tpu.dma_semaphore, #tpu.memory_space<semaphore_mem>>) src(%dma_wait3A_132 : memref<1000000x64xf32, #tpu.memory_space<hbm>>) dst(%dma_wait3A_126 : memref<128x64xf32, #tpu.memory_space<vmem>>)
    %dma_wait3A_133 = arith.constant 1 : i32
    %dma_wait3A_134 = arith.constant 1 : i32
    %dma_wait3A_135 = arith.constant 128 : i32
    %dma_wait3A_136 = arith.constant 0 : i32
    %dma_wait3A_137 = tpu.memref_slice %arg6[%dma_wait3A_134, %dma_wait3A_135, %dma_wait3A_136] : memref<4x200x64xf32, #tpu.memory_space<vmem>> -> memref<1x72x64xf32, #tpu.memory_space<vmem>>
    %dma_wait3A_138 = tpu.memref_squeeze %dma_wait3A_137 : memref<1x72x64xf32, #tpu.memory_space<vmem>> -> memref<72x64xf32, #tpu.memory_space<vmem>>
    %dma_wait3A_139 = arith.constant 128 : i32
    %dma_wait3A_140 = tpu.memref_slice %arg5[%dma_wait3A_133, %dma_wait3A_139] : memref<128x200xi32, #tpu.memory_space<vmem>> -> memref<1x72xi32, #tpu.memory_space<vmem>>
    %dma_wait3A_141 = tpu.memref_squeeze %dma_wait3A_140 : memref<1x72xi32, #tpu.memory_space<vmem>> -> memref<72xi32, #tpu.memory_space<vmem>>
    %dma_wait3A_142 = arith.constant 0 : i32
    %dma_wait3A_143 = arith.constant 0 : i32
    %dma_wait3A_144 = tpu.memref_slice %arg3[%dma_wait3A_142, %dma_wait3A_143] : memref<1000000x64xf32, #tpu.memory_space<hbm>> -> memref<1000000x64xf32, #tpu.memory_space<hbm>>
    tpu.wait_indirect_dma semaphore(%arg8 : memref<!tpu.dma_semaphore, #tpu.memory_space<semaphore_mem>>) src(%dma_wait3A_144 : memref<1000000x64xf32, #tpu.memory_space<hbm>>) dst(%dma_wait3A_138 : memref<72x64xf32, #tpu.memory_space<vmem>>)
    %dma_wait3A_145 = arith.constant 2 : i32
    %dma_wait3A_146 = arith.constant 2 : i32
    %dma_wait3A_147 = arith.constant 0 : i32
    %dma_wait3A_148 = arith.constant 0 : i32
    %dma_wait3A_149 = tpu.memref_slice %arg6[%dma_wait3A_146, %dma_wait3A_147, %dma_wait3A_148] : memref<4x200x64xf32, #tpu.memory_space<vmem>> -> memref<1x128x64xf32, #tpu.memory_space<vmem>>
    %dma_wait3A_150 = tpu.memref_squeeze %dma_wait3A_149 : memref<1x128x64xf32, #tpu.memory_space<vmem>> -> memref<128x64xf32, #tpu.memory_space<vmem>>
    %dma_wait3A_151 = arith.constant 0 : i32
    %dma_wait3A_152 = tpu.memref_slice %arg5[%dma_wait3A_145, %dma_wait3A_151] : memref<128x200xi32, #tpu.memory_space<vmem>> -> memref<1x128xi32, #tpu.memory_space<vmem>>
    %dma_wait3A_153 = tpu.memref_squeeze %dma_wait3A_152 : memref<1x128xi32, #tpu.memory_space<vmem>> -> memref<128xi32, #tpu.memory_space<vmem>>
    %dma_wait3A_154 = arith.constant 0 : i32
    %dma_wait3A_155 = arith.constant 0 : i32
    %dma_wait3A_156 = tpu.memref_slice %arg3[%dma_wait3A_154, %dma_wait3A_155] : memref<1000000x64xf32, #tpu.memory_space<hbm>> -> memref<1000000x64xf32, #tpu.memory_space<hbm>>
    tpu.wait_indirect_dma semaphore(%arg8 : memref<!tpu.dma_semaphore, #tpu.memory_space<semaphore_mem>>) src(%dma_wait3A_156 : memref<1000000x64xf32, #tpu.memory_space<hbm>>) dst(%dma_wait3A_150 : memref<128x64xf32, #tpu.memory_space<vmem>>)
    %dma_wait3A_157 = arith.constant 2 : i32
    %dma_wait3A_158 = arith.constant 2 : i32
    %dma_wait3A_159 = arith.constant 128 : i32
    %dma_wait3A_160 = arith.constant 0 : i32
    %dma_wait3A_161 = tpu.memref_slice %arg6[%dma_wait3A_158, %dma_wait3A_159, %dma_wait3A_160] : memref<4x200x64xf32, #tpu.memory_space<vmem>> -> memref<1x72x64xf32, #tpu.memory_space<vmem>>
    %dma_wait3A_162 = tpu.memref_squeeze %dma_wait3A_161 : memref<1x72x64xf32, #tpu.memory_space<vmem>> -> memref<72x64xf32, #tpu.memory_space<vmem>>
    %dma_wait3A_163 = arith.constant 128 : i32
    %dma_wait3A_164 = tpu.memref_slice %arg5[%dma_wait3A_157, %dma_wait3A_163] : memref<128x200xi32, #tpu.memory_space<vmem>> -> memref<1x72xi32, #tpu.memory_space<vmem>>
    %dma_wait3A_165 = tpu.memref_squeeze %dma_wait3A_164 : memref<1x72xi32, #tpu.memory_space<vmem>> -> memref<72xi32, #tpu.memory_space<vmem>>
    %dma_wait3A_166 = arith.constant 0 : i32
    %dma_wait3A_167 = arith.constant 0 : i32
    %dma_wait3A_168 = tpu.memref_slice %arg3[%dma_wait3A_166, %dma_wait3A_167] : memref<1000000x64xf32, #tpu.memory_space<hbm>> -> memref<1000000x64xf32, #tpu.memory_space<hbm>>
    tpu.wait_indirect_dma semaphore(%arg8 : memref<!tpu.dma_semaphore, #tpu.memory_space<semaphore_mem>>) src(%dma_wait3A_168 : memref<1000000x64xf32, #tpu.memory_space<hbm>>) dst(%dma_wait3A_162 : memref<72x64xf32, #tpu.memory_space<vmem>>)
    %dma_wait3A_169 = arith.constant 3 : i32
    %dma_wait3A_170 = arith.constant 3 : i32
    %dma_wait3A_171 = arith.constant 0 : i32
    %dma_wait3A_172 = arith.constant 0 : i32
    %dma_wait3A_173 = tpu.memref_slice %arg6[%dma_wait3A_170, %dma_wait3A_171, %dma_wait3A_172] : memref<4x200x64xf32, #tpu.memory_space<vmem>> -> memref<1x128x64xf32, #tpu.memory_space<vmem>>
    %dma_wait3A_174 = tpu.memref_squeeze %dma_wait3A_173 : memref<1x128x64xf32, #tpu.memory_space<vmem>> -> memref<128x64xf32, #tpu.memory_space<vmem>>
    %dma_wait3A_175 = arith.constant 0 : i32
    %dma_wait3A_176 = tpu.memref_slice %arg5[%dma_wait3A_169, %dma_wait3A_175] : memref<128x200xi32, #tpu.memory_space<vmem>> -> memref<1x128xi32, #tpu.memory_space<vmem>>
    %dma_wait3A_177 = tpu.memref_squeeze %dma_wait3A_176 : memref<1x128xi32, #tpu.memory_space<vmem>> -> memref<128xi32, #tpu.memory_space<vmem>>
    %dma_wait3A_178 = arith.constant 0 : i32
    %dma_wait3A_179 = arith.constant 0 : i32
    %dma_wait3A_180 = tpu.memref_slice %arg3[%dma_wait3A_178, %dma_wait3A_179] : memref<1000000x64xf32, #tpu.memory_space<hbm>> -> memref<1000000x64xf32, #tpu.memory_space<hbm>>
    tpu.wait_indirect_dma semaphore(%arg8 : memref<!tpu.dma_semaphore, #tpu.memory_space<semaphore_mem>>) src(%dma_wait3A_180 : memref<1000000x64xf32, #tpu.memory_space<hbm>>) dst(%dma_wait3A_174 : memref<128x64xf32, #tpu.memory_space<vmem>>)
    %dma_wait3A_181 = arith.constant 3 : i32
    %dma_wait3A_182 = arith.constant 3 : i32
    %dma_wait3A_183 = arith.constant 128 : i32
    %dma_wait3A_184 = arith.constant 0 : i32
    %dma_wait3A_185 = tpu.memref_slice %arg6[%dma_wait3A_182, %dma_wait3A_183, %dma_wait3A_184] : memref<4x200x64xf32, #tpu.memory_space<vmem>> -> memref<1x72x64xf32, #tpu.memory_space<vmem>>
    %dma_wait3A_186 = tpu.memref_squeeze %dma_wait3A_185 : memref<1x72x64xf32, #tpu.memory_space<vmem>> -> memref<72x64xf32, #tpu.memory_space<vmem>>
    %dma_wait3A_187 = arith.constant 128 : i32
    %dma_wait3A_188 = tpu.memref_slice %arg5[%dma_wait3A_181, %dma_wait3A_187] : memref<128x200xi32, #tpu.memory_space<vmem>> -> memref<1x72xi32, #tpu.memory_space<vmem>>
    %dma_wait3A_189 = tpu.memref_squeeze %dma_wait3A_188 : memref<1x72xi32, #tpu.memory_space<vmem>> -> memref<72xi32, #tpu.memory_space<vmem>>
    %dma_wait3A_190 = arith.constant 0 : i32
    %dma_wait3A_191 = arith.constant 0 : i32
    %dma_wait3A_192 = tpu.memref_slice %arg3[%dma_wait3A_190, %dma_wait3A_191] : memref<1000000x64xf32, #tpu.memory_space<hbm>> -> memref<1000000x64xf32, #tpu.memory_space<hbm>>
    tpu.wait_indirect_dma semaphore(%arg8 : memref<!tpu.dma_semaphore, #tpu.memory_space<semaphore_mem>>) src(%dma_wait3A_192 : memref<1000000x64xf32, #tpu.memory_space<hbm>>) dst(%dma_wait3A_186 : memref<72x64xf32, #tpu.memory_space<vmem>>)
    %add3A_193 = arith.constant 0 : i32
    %add3A_194 = arith.addi %mul3A_2, %add3A_193 : i32
    %dma_start3A_195 = arith.constant 0 : i32
    %dma_start3A_196 = arith.constant 0 : i32
    %dma_start3A_197 = tpu.memref_slice %arg4[%add3A_194, %dma_start3A_195, %dma_start3A_196] : memref<4096x200x128xf32, #tpu.memory_space<hbm>> -> memref<4x200x64xf32, #tpu.memory_space<hbm>>
    %dma_start3A_198 = arith.constant 0 : i32
    %dma_start3A_199 = arith.constant 0 : i32
    %dma_start3A_200 = tpu.memref_slice %arg4[%add3A_194, %dma_start3A_198, %dma_start3A_199] : memref<4096x200x128xf32, #tpu.memory_space<hbm>> -> memref<4x200x64xf32, #tpu.memory_space<hbm>>
    tpu.enqueue_dma source(%arg6 : memref<4x200x64xf32, #tpu.memory_space<vmem>>) target(%dma_start3A_200 : memref<4x200x64xf32, #tpu.memory_space<hbm>>) target_semaphore(%arg9 : memref<!tpu.dma_semaphore, #tpu.memory_space<semaphore_mem>>)
    %dma_start3A_201 = arith.constant 4 : i32
    %dma_start3A_202 = arith.constant 0 : i32
    %dma_start3A_203 = arith.constant 0 : i32
    %dma_start3A_204 = arith.constant 0 : i32
    %dma_start3A_205 = tpu.memref_slice %arg7[%dma_start3A_202, %dma_start3A_203, %dma_start3A_204] : memref<4x200x64xf32, #tpu.memory_space<vmem>> -> memref<1x128x64xf32, #tpu.memory_space<vmem>>
    %dma_start3A_206 = tpu.memref_squeeze %dma_start3A_205 : memref<1x128x64xf32, #tpu.memory_space<vmem>> -> memref<128x64xf32, #tpu.memory_space<vmem>>
    %dma_start3A_207 = arith.constant 0 : i32
    %dma_start3A_208 = tpu.memref_slice %arg5[%dma_start3A_201, %dma_start3A_207] : memref<128x200xi32, #tpu.memory_space<vmem>> -> memref<1x128xi32, #tpu.memory_space<vmem>>
    %dma_start3A_209 = tpu.memref_squeeze %dma_start3A_208 : memref<1x128xi32, #tpu.memory_space<vmem>> -> memref<128xi32, #tpu.memory_space<vmem>>
    %dma_start3A_210 = arith.constant 0 : i32
    %dma_start3A_211 = arith.constant 0 : i32
    %dma_start3A_212 = tpu.memref_slice %arg3[%dma_start3A_210, %dma_start3A_211] : memref<1000000x64xf32, #tpu.memory_space<hbm>> -> memref<1000000x64xf32, #tpu.memory_space<hbm>>
    tpu.enqueue_indirect_dma source(%dma_start3A_212 : memref<1000000x64xf32, #tpu.memory_space<hbm>>) target(%dma_start3A_206 : memref<128x64xf32, #tpu.memory_space<vmem>>) offsets(%dma_start3A_209 : memref<128xi32, #tpu.memory_space<vmem>>) semaphore(%arg8 : memref<!tpu.dma_semaphore, #tpu.memory_space<semaphore_mem>>)
    %dma_start3A_213 = arith.constant 4 : i32
    %dma_start3A_214 = arith.constant 0 : i32
    %dma_start3A_215 = arith.constant 128 : i32
    %dma_start3A_216 = arith.constant 0 : i32
    %dma_start3A_217 = tpu.memref_slice %arg7[%dma_start3A_214, %dma_start3A_215, %dma_start3A_216] : memref<4x200x64xf32, #tpu.memory_space<vmem>> -> memref<1x72x64xf32, #tpu.memory_space<vmem>>
    %dma_start3A_218 = tpu.memref_squeeze %dma_start3A_217 : memref<1x72x64xf32, #tpu.memory_space<vmem>> -> memref<72x64xf32, #tpu.memory_space<vmem>>
    %dma_start3A_219 = arith.constant 128 : i32
    %dma_start3A_220 = tpu.memref_slice %arg5[%dma_start3A_213, %dma_start3A_219] : memref<128x200xi32, #tpu.memory_space<vmem>> -> memref<1x72xi32, #tpu.memory_space<vmem>>
    %dma_start3A_221 = tpu.memref_squeeze %dma_start3A_220 : memref<1x72xi32, #tpu.memory_space<vmem>> -> memref<72xi32, #tpu.memory_space<vmem>>
    %dma_start3A_222 = arith.constant 0 : i32
    %dma_start3A_223 = arith.constant 0 : i32
    %dma_start3A_224 = tpu.memref_slice %arg3[%dma_start3A_222, %dma_start3A_223] : memref<1000000x64xf32, #tpu.memory_space<hbm>> -> memref<1000000x64xf32, #tpu.memory_space<hbm>>
    tpu.enqueue_indirect_dma source(%dma_start3A_224 : memref<1000000x64xf32, #tpu.memory_space<hbm>>) target(%dma_start3A_218 : memref<72x64xf32, #tpu.memory_space<vmem>>) offsets(%dma_start3A_221 : memref<72xi32, #tpu.memory_space<vmem>>) semaphore(%arg8 : memref<!tpu.dma_semaphore, #tpu.memory_space<semaphore_mem>>)
    %dma_start3A_225 = arith.constant 5 : i32
    %dma_start3A_226 = arith.constant 1 : i32
    %dma_start3A_227 = arith.constant 0 : i32
    %dma_start3A_228 = arith.constant 0 : i32
    %dma_start3A_229 = tpu.memref_slice %arg7[%dma_start3A_226, %dma_start3A_227, %dma_start3A_228] : memref<4x200x64xf32, #tpu.memory_space<vmem>> -> memref<1x128x64xf32, #tpu.memory_space<vmem>>
    %dma_start3A_230 = tpu.memref_squeeze %dma_start3A_229 : memref<1x128x64xf32, #tpu.memory_space<vmem>> -> memref<128x64xf32, #tpu.memory_space<vmem>>
    %dma_start3A_231 = arith.constant 0 : i32
    %dma_start3A_232 = tpu.memref_slice %arg5[%dma_start3A_225, %dma_start3A_231] : memref<128x200xi32, #tpu.memory_space<vmem>> -> memref<1x128xi32, #tpu.memory_space<vmem>>
    %dma_start3A_233 = tpu.memref_squeeze %dma_start3A_232 : memref<1x128xi32, #tpu.memory_space<vmem>> -> memref<128xi32, #tpu.memory_space<vmem>>
    %dma_start3A_234 = arith.constant 0 : i32
    %dma_start3A_235 = arith.constant 0 : i32
    %dma_start3A_236 = tpu.memref_slice %arg3[%dma_start3A_234, %dma_start3A_235] : memref<1000000x64xf32, #tpu.memory_space<hbm>> -> memref<1000000x64xf32, #tpu.memory_space<hbm>>
    tpu.enqueue_indirect_dma source(%dma_start3A_236 : memref<1000000x64xf32, #tpu.memory_space<hbm>>) target(%dma_start3A_230 : memref<128x64xf32, #tpu.memory_space<vmem>>) offsets(%dma_start3A_233 : memref<128xi32, #tpu.memory_space<vmem>>) semaphore(%arg8 : memref<!tpu.dma_semaphore, #tpu.memory_space<semaphore_mem>>)
    %dma_start3A_237 = arith.constant 5 : i32
    %dma_start3A_238 = arith.constant 1 : i32
    %dma_start3A_239 = arith.constant 128 : i32
    %dma_start3A_240 = arith.constant 0 : i32
    %dma_start3A_241 = tpu.memref_slice %arg7[%dma_start3A_238, %dma_start3A_239, %dma_start3A_240] : memref<4x200x64xf32, #tpu.memory_space<vmem>> -> memref<1x72x64xf32, #tpu.memory_space<vmem>>
    %dma_start3A_242 = tpu.memref_squeeze %dma_start3A_241 : memref<1x72x64xf32, #tpu.memory_space<vmem>> -> memref<72x64xf32, #tpu.memory_space<vmem>>
    %dma_start3A_243 = arith.constant 128 : i32
    %dma_start3A_244 = tpu.memref_slice %arg5[%dma_start3A_237, %dma_start3A_243] : memref<128x200xi32, #tpu.memory_space<vmem>> -> memref<1x72xi32, #tpu.memory_space<vmem>>
    %dma_start3A_245 = tpu.memref_squeeze %dma_start3A_244 : memref<1x72xi32, #tpu.memory_space<vmem>> -> memref<72xi32, #tpu.memory_space<vmem>>
    %dma_start3A_246 = arith.constant 0 : i32
    %dma_start3A_247 = arith.constant 0 : i32
    %dma_start3A_248 = tpu.memref_slice %arg3[%dma_start3A_246, %dma_start3A_247] : memref<1000000x64xf32, #tpu.memory_space<hbm>> -> memref<1000000x64xf32, #tpu.memory_space<hbm>>
    tpu.enqueue_indirect_dma source(%dma_start3A_248 : memref<1000000x64xf32, #tpu.memory_space<hbm>>) target(%dma_start3A_242 : memref<72x64xf32, #tpu.memory_space<vmem>>) offsets(%dma_start3A_245 : memref<72xi32, #tpu.memory_space<vmem>>) semaphore(%arg8 : memref<!tpu.dma_semaphore, #tpu.memory_space<semaphore_mem>>)
    %dma_start3A_249 = arith.constant 6 : i32
    %dma_start3A_250 = arith.constant 2 : i32
    %dma_start3A_251 = arith.constant 0 : i32
    %dma_start3A_252 = arith.constant 0 : i32
    %dma_start3A_253 = tpu.memref_slice %arg7[%dma_start3A_250, %dma_start3A_251, %dma_start3A_252] : memref<4x200x64xf32, #tpu.memory_space<vmem>> -> memref<1x128x64xf32, #tpu.memory_space<vmem>>
    %dma_start3A_254 = tpu.memref_squeeze %dma_start3A_253 : memref<1x128x64xf32, #tpu.memory_space<vmem>> -> memref<128x64xf32, #tpu.memory_space<vmem>>
    %dma_start3A_255 = arith.constant 0 : i32
    %dma_start3A_256 = tpu.memref_slice %arg5[%dma_start3A_249, %dma_start3A_255] : memref<128x200xi32, #tpu.memory_space<vmem>> -> memref<1x128xi32, #tpu.memory_space<vmem>>
    %dma_start3A_257 = tpu.memref_squeeze %dma_start3A_256 : memref<1x128xi32, #tpu.memory_space<vmem>> -> memref<128xi32, #tpu.memory_space<vmem>>
    %dma_start3A_258 = arith.constant 0 : i32
    %dma_start3A_259 = arith.constant 0 : i32
    %dma_start3A_260 = tpu.memref_slice %arg3[%dma_start3A_258, %dma_start3A_259] : memref<1000000x64xf32, #tpu.memory_space<hbm>> -> memref<1000000x64xf32, #tpu.memory_space<hbm>>
    tpu.enqueue_indirect_dma source(%dma_start3A_260 : memref<1000000x64xf32, #tpu.memory_space<hbm>>) target(%dma_start3A_254 : memref<128x64xf32, #tpu.memory_space<vmem>>) offsets(%dma_start3A_257 : memref<128xi32, #tpu.memory_space<vmem>>) semaphore(%arg8 : memref<!tpu.dma_semaphore, #tpu.memory_space<semaphore_mem>>)
    %dma_start3A_261 = arith.constant 6 : i32
    %dma_start3A_262 = arith.constant 2 : i32
    %dma_start3A_263 = arith.constant 128 : i32
    %dma_start3A_264 = arith.constant 0 : i32
    %dma_start3A_265 = tpu.memref_slice %arg7[%dma_start3A_262, %dma_start3A_263, %dma_start3A_264] : memref<4x200x64xf32, #tpu.memory_space<vmem>> -> memref<1x72x64xf32, #tpu.memory_space<vmem>>
    %dma_start3A_266 = tpu.memref_squeeze %dma_start3A_265 : memref<1x72x64xf32, #tpu.memory_space<vmem>> -> memref<72x64xf32, #tpu.memory_space<vmem>>
    %dma_start3A_267 = arith.constant 128 : i32
    %dma_start3A_268 = tpu.memref_slice %arg5[%dma_start3A_261, %dma_start3A_267] : memref<128x200xi32, #tpu.memory_space<vmem>> -> memref<1x72xi32, #tpu.memory_space<vmem>>
    %dma_start3A_269 = tpu.memref_squeeze %dma_start3A_268 : memref<1x72xi32, #tpu.memory_space<vmem>> -> memref<72xi32, #tpu.memory_space<vmem>>
    %dma_start3A_270 = arith.constant 0 : i32
    %dma_start3A_271 = arith.constant 0 : i32
    %dma_start3A_272 = tpu.memref_slice %arg3[%dma_start3A_270, %dma_start3A_271] : memref<1000000x64xf32, #tpu.memory_space<hbm>> -> memref<1000000x64xf32, #tpu.memory_space<hbm>>
    tpu.enqueue_indirect_dma source(%dma_start3A_272 : memref<1000000x64xf32, #tpu.memory_space<hbm>>) target(%dma_start3A_266 : memref<72x64xf32, #tpu.memory_space<vmem>>) offsets(%dma_start3A_269 : memref<72xi32, #tpu.memory_space<vmem>>) semaphore(%arg8 : memref<!tpu.dma_semaphore, #tpu.memory_space<semaphore_mem>>)
    %dma_start3A_273 = arith.constant 7 : i32
    %dma_start3A_274 = arith.constant 3 : i32
    %dma_start3A_275 = arith.constant 0 : i32
    %dma_start3A_276 = arith.constant 0 : i32
    %dma_start3A_277 = tpu.memref_slice %arg7[%dma_start3A_274, %dma_start3A_275, %dma_start3A_276] : memref<4x200x64xf32, #tpu.memory_space<vmem>> -> memref<1x128x64xf32, #tpu.memory_space<vmem>>
    %dma_start3A_278 = tpu.memref_squeeze %dma_start3A_277 : memref<1x128x64xf32, #tpu.memory_space<vmem>> -> memref<128x64xf32, #tpu.memory_space<vmem>>
    %dma_start3A_279 = arith.constant 0 : i32
    %dma_start3A_280 = tpu.memref_slice %arg5[%dma_start3A_273, %dma_start3A_279] : memref<128x200xi32, #tpu.memory_space<vmem>> -> memref<1x128xi32, #tpu.memory_space<vmem>>
    %dma_start3A_281 = tpu.memref_squeeze %dma_start3A_280 : memref<1x128xi32, #tpu.memory_space<vmem>> -> memref<128xi32, #tpu.memory_space<vmem>>
    %dma_start3A_282 = arith.constant 0 : i32
    %dma_start3A_283 = arith.constant 0 : i32
    %dma_start3A_284 = tpu.memref_slice %arg3[%dma_start3A_282, %dma_start3A_283] : memref<1000000x64xf32, #tpu.memory_space<hbm>> -> memref<1000000x64xf32, #tpu.memory_space<hbm>>
    tpu.enqueue_indirect_dma source(%dma_start3A_284 : memref<1000000x64xf32, #tpu.memory_space<hbm>>) target(%dma_start3A_278 : memref<128x64xf32, #tpu.memory_space<vmem>>) offsets(%dma_start3A_281 : memref<128xi32, #tpu.memory_space<vmem>>) semaphore(%arg8 : memref<!tpu.dma_semaphore, #tpu.memory_space<semaphore_mem>>)
    %dma_start3A_285 = arith.constant 7 : i32
    %dma_start3A_286 = arith.constant 3 : i32
    %dma_start3A_287 = arith.constant 128 : i32
    %dma_start3A_288 = arith.constant 0 : i32
    %dma_start3A_289 = tpu.memref_slice %arg7[%dma_start3A_286, %dma_start3A_287, %dma_start3A_288] : memref<4x200x64xf32, #tpu.memory_space<vmem>> -> memref<1x72x64xf32, #tpu.memory_space<vmem>>
    %dma_start3A_290 = tpu.memref_squeeze %dma_start3A_289 : memref<1x72x64xf32, #tpu.memory_space<vmem>> -> memref<72x64xf32, #tpu.memory_space<vmem>>
    %dma_start3A_291 = arith.constant 128 : i32
    %dma_start3A_292 = tpu.memref_slice %arg5[%dma_start3A_285, %dma_start3A_291] : memref<128x200xi32, #tpu.memory_space<vmem>> -> memref<1x72xi32, #tpu.memory_space<vmem>>
    %dma_start3A_293 = tpu.memref_squeeze %dma_start3A_292 : memref<1x72xi32, #tpu.memory_space<vmem>> -> memref<72xi32, #tpu.memory_space<vmem>>
    %dma_start3A_294 = arith.constant 0 : i32
    %dma_start3A_295 = arith.constant 0 : i32
    %dma_start3A_296 = tpu.memref_slice %arg3[%dma_start3A_294, %dma_start3A_295] : memref<1000000x64xf32, #tpu.memory_space<hbm>> -> memref<1000000x64xf32, #tpu.memory_space<hbm>>
    tpu.enqueue_indirect_dma source(%dma_start3A_296 : memref<1000000x64xf32, #tpu.memory_space<hbm>>) target(%dma_start3A_290 : memref<72x64xf32, #tpu.memory_space<vmem>>) offsets(%dma_start3A_293 : memref<72xi32, #tpu.memory_space<vmem>>) semaphore(%arg8 : memref<!tpu.dma_semaphore, #tpu.memory_space<semaphore_mem>>)
    %dma_wait3A_297 = arith.constant 4 : i32
    %dma_wait3A_298 = arith.constant 0 : i32
    %dma_wait3A_299 = arith.constant 0 : i32
    %dma_wait3A_300 = arith.constant 0 : i32
    %dma_wait3A_301 = tpu.memref_slice %arg7[%dma_wait3A_298, %dma_wait3A_299, %dma_wait3A_300] : memref<4x200x64xf32, #tpu.memory_space<vmem>> -> memref<1x128x64xf32, #tpu.memory_space<vmem>>
    %dma_wait3A_302 = tpu.memref_squeeze %dma_wait3A_301 : memref<1x128x64xf32, #tpu.memory_space<vmem>> -> memref<128x64xf32, #tpu.memory_space<vmem>>
    %dma_wait3A_303 = arith.constant 0 : i32
    %dma_wait3A_304 = tpu.memref_slice %arg5[%dma_wait3A_297, %dma_wait3A_303] : memref<128x200xi32, #tpu.memory_space<vmem>> -> memref<1x128xi32, #tpu.memory_space<vmem>>
    %dma_wait3A_305 = tpu.memref_squeeze %dma_wait3A_304 : memref<1x128xi32, #tpu.memory_space<vmem>> -> memref<128xi32, #tpu.memory_space<vmem>>
    %dma_wait3A_306 = arith.constant 0 : i32
    %dma_wait3A_307 = arith.constant 0 : i32
    %dma_wait3A_308 = tpu.memref_slice %arg3[%dma_wait3A_306, %dma_wait3A_307] : memref<1000000x64xf32, #tpu.memory_space<hbm>> -> memref<1000000x64xf32, #tpu.memory_space<hbm>>
    tpu.wait_indirect_dma semaphore(%arg8 : memref<!tpu.dma_semaphore, #tpu.memory_space<semaphore_mem>>) src(%dma_wait3A_308 : memref<1000000x64xf32, #tpu.memory_space<hbm>>) dst(%dma_wait3A_302 : memref<128x64xf32, #tpu.memory_space<vmem>>)
    %dma_wait3A_309 = arith.constant 4 : i32
    %dma_wait3A_310 = arith.constant 0 : i32
    %dma_wait3A_311 = arith.constant 128 : i32
    %dma_wait3A_312 = arith.constant 0 : i32
    %dma_wait3A_313 = tpu.memref_slice %arg7[%dma_wait3A_310, %dma_wait3A_311, %dma_wait3A_312] : memref<4x200x64xf32, #tpu.memory_space<vmem>> -> memref<1x72x64xf32, #tpu.memory_space<vmem>>
    %dma_wait3A_314 = tpu.memref_squeeze %dma_wait3A_313 : memref<1x72x64xf32, #tpu.memory_space<vmem>> -> memref<72x64xf32, #tpu.memory_space<vmem>>
    %dma_wait3A_315 = arith.constant 128 : i32
    %dma_wait3A_316 = tpu.memref_slice %arg5[%dma_wait3A_309, %dma_wait3A_315] : memref<128x200xi32, #tpu.memory_space<vmem>> -> memref<1x72xi32, #tpu.memory_space<vmem>>
    %dma_wait3A_317 = tpu.memref_squeeze %dma_wait3A_316 : memref<1x72xi32, #tpu.memory_space<vmem>> -> memref<72xi32, #tpu.memory_space<vmem>>
    %dma_wait3A_318 = arith.constant 0 : i32
    %dma_wait3A_319 = arith.constant 0 : i32
    %dma_wait3A_320 = tpu.memref_slice %arg3[%dma_wait3A_318, %dma_wait3A_319] : memref<1000000x64xf32, #tpu.memory_space<hbm>> -> memref<1000000x64xf32, #tpu.memory_space<hbm>>
    tpu.wait_indirect_dma semaphore(%arg8 : memref<!tpu.dma_semaphore, #tpu.memory_space<semaphore_mem>>) src(%dma_wait3A_320 : memref<1000000x64xf32, #tpu.memory_space<hbm>>) dst(%dma_wait3A_314 : memref<72x64xf32, #tpu.memory_space<vmem>>)
    %dma_wait3A_321 = arith.constant 5 : i32
    %dma_wait3A_322 = arith.constant 1 : i32
    %dma_wait3A_323 = arith.constant 0 : i32
    %dma_wait3A_324 = arith.constant 0 : i32
    %dma_wait3A_325 = tpu.memref_slice %arg7[%dma_wait3A_322, %dma_wait3A_323, %dma_wait3A_324] : memref<4x200x64xf32, #tpu.memory_space<vmem>> -> memref<1x128x64xf32, #tpu.memory_space<vmem>>
    %dma_wait3A_326 = tpu.memref_squeeze %dma_wait3A_325 : memref<1x128x64xf32, #tpu.memory_space<vmem>> -> memref<128x64xf32, #tpu.memory_space<vmem>>
    %dma_wait3A_327 = arith.constant 0 : i32
    %dma_wait3A_328 = tpu.memref_slice %arg5[%dma_wait3A_321, %dma_wait3A_327] : memref<128x200xi32, #tpu.memory_space<vmem>> -> memref<1x128xi32, #tpu.memory_space<vmem>>
    %dma_wait3A_329 = tpu.memref_squeeze %dma_wait3A_328 : memref<1x128xi32, #tpu.memory_space<vmem>> -> memref<128xi32, #tpu.memory_space<vmem>>
    %dma_wait3A_330 = arith.constant 0 : i32
    %dma_wait3A_331 = arith.constant 0 : i32
    %dma_wait3A_332 = tpu.memref_slice %arg3[%dma_wait3A_330, %dma_wait3A_331] : memref<1000000x64xf32, #tpu.memory_space<hbm>> -> memref<1000000x64xf32, #tpu.memory_space<hbm>>
    tpu.wait_indirect_dma semaphore(%arg8 : memref<!tpu.dma_semaphore, #tpu.memory_space<semaphore_mem>>) src(%dma_wait3A_332 : memref<1000000x64xf32, #tpu.memory_space<hbm>>) dst(%dma_wait3A_326 : memref<128x64xf32, #tpu.memory_space<vmem>>)
    %dma_wait3A_333 = arith.constant 5 : i32
    %dma_wait3A_334 = arith.constant 1 : i32
    %dma_wait3A_335 = arith.constant 128 : i32
    %dma_wait3A_336 = arith.constant 0 : i32
    %dma_wait3A_337 = tpu.memref_slice %arg7[%dma_wait3A_334, %dma_wait3A_335, %dma_wait3A_336] : memref<4x200x64xf32, #tpu.memory_space<vmem>> -> memref<1x72x64xf32, #tpu.memory_space<vmem>>
    %dma_wait3A_338 = tpu.memref_squeeze %dma_wait3A_337 : memref<1x72x64xf32, #tpu.memory_space<vmem>> -> memref<72x64xf32, #tpu.memory_space<vmem>>
    %dma_wait3A_339 = arith.constant 128 : i32
    %dma_wait3A_340 = tpu.memref_slice %arg5[%dma_wait3A_333, %dma_wait3A_339] : memref<128x200xi32, #tpu.memory_space<vmem>> -> memref<1x72xi32, #tpu.memory_space<vmem>>
    %dma_wait3A_341 = tpu.memref_squeeze %dma_wait3A_340 : memref<1x72xi32, #tpu.memory_space<vmem>> -> memref<72xi32, #tpu.memory_space<vmem>>
    %dma_wait3A_342 = arith.constant 0 : i32
    %dma_wait3A_343 = arith.constant 0 : i32
    %dma_wait3A_344 = tpu.memref_slice %arg3[%dma_wait3A_342, %dma_wait3A_343] : memref<1000000x64xf32, #tpu.memory_space<hbm>> -> memref<1000000x64xf32, #tpu.memory_space<hbm>>
    tpu.wait_indirect_dma semaphore(%arg8 : memref<!tpu.dma_semaphore, #tpu.memory_space<semaphore_mem>>) src(%dma_wait3A_344 : memref<1000000x64xf32, #tpu.memory_space<hbm>>) dst(%dma_wait3A_338 : memref<72x64xf32, #tpu.memory_space<vmem>>)
    %dma_wait3A_345 = arith.constant 6 : i32
    %dma_wait3A_346 = arith.constant 2 : i32
    %dma_wait3A_347 = arith.constant 0 : i32
    %dma_wait3A_348 = arith.constant 0 : i32
    %dma_wait3A_349 = tpu.memref_slice %arg7[%dma_wait3A_346, %dma_wait3A_347, %dma_wait3A_348] : memref<4x200x64xf32, #tpu.memory_space<vmem>> -> memref<1x128x64xf32, #tpu.memory_space<vmem>>
    %dma_wait3A_350 = tpu.memref_squeeze %dma_wait3A_349 : memref<1x128x64xf32, #tpu.memory_space<vmem>> -> memref<128x64xf32, #tpu.memory_space<vmem>>
    %dma_wait3A_351 = arith.constant 0 : i32
    %dma_wait3A_352 = tpu.memref_slice %arg5[%dma_wait3A_345, %dma_wait3A_351] : memref<128x200xi32, #tpu.memory_space<vmem>> -> memref<1x128xi32, #tpu.memory_space<vmem>>
    %dma_wait3A_353 = tpu.memref_squeeze %dma_wait3A_352 : memref<1x128xi32, #tpu.memory_space<vmem>> -> memref<128xi32, #tpu.memory_space<vmem>>
    %dma_wait3A_354 = arith.constant 0 : i32
    %dma_wait3A_355 = arith.constant 0 : i32
    %dma_wait3A_356 = tpu.memref_slice %arg3[%dma_wait3A_354, %dma_wait3A_355] : memref<1000000x64xf32, #tpu.memory_space<hbm>> -> memref<1000000x64xf32, #tpu.memory_space<hbm>>
    tpu.wait_indirect_dma semaphore(%arg8 : memref<!tpu.dma_semaphore, #tpu.memory_space<semaphore_mem>>) src(%dma_wait3A_356 : memref<1000000x64xf32, #tpu.memory_space<hbm>>) dst(%dma_wait3A_350 : memref<128x64xf32, #tpu.memory_space<vmem>>)
    %dma_wait3A_357 = arith.constant 6 : i32
    %dma_wait3A_358 = arith.constant 2 : i32
    %dma_wait3A_359 = arith.constant 128 : i32
    %dma_wait3A_360 = arith.constant 0 : i32
    %dma_wait3A_361 = tpu.memref_slice %arg7[%dma_wait3A_358, %dma_wait3A_359, %dma_wait3A_360] : memref<4x200x64xf32, #tpu.memory_space<vmem>> -> memref<1x72x64xf32, #tpu.memory_space<vmem>>
    %dma_wait3A_362 = tpu.memref_squeeze %dma_wait3A_361 : memref<1x72x64xf32, #tpu.memory_space<vmem>> -> memref<72x64xf32, #tpu.memory_space<vmem>>
    %dma_wait3A_363 = arith.constant 128 : i32
    %dma_wait3A_364 = tpu.memref_slice %arg5[%dma_wait3A_357, %dma_wait3A_363] : memref<128x200xi32, #tpu.memory_space<vmem>> -> memref<1x72xi32, #tpu.memory_space<vmem>>
    %dma_wait3A_365 = tpu.memref_squeeze %dma_wait3A_364 : memref<1x72xi32, #tpu.memory_space<vmem>> -> memref<72xi32, #tpu.memory_space<vmem>>
    %dma_wait3A_366 = arith.constant 0 : i32
    %dma_wait3A_367 = arith.constant 0 : i32
    %dma_wait3A_368 = tpu.memref_slice %arg3[%dma_wait3A_366, %dma_wait3A_367] : memref<1000000x64xf32, #tpu.memory_space<hbm>> -> memref<1000000x64xf32, #tpu.memory_space<hbm>>
    tpu.wait_indirect_dma semaphore(%arg8 : memref<!tpu.dma_semaphore, #tpu.memory_space<semaphore_mem>>) src(%dma_wait3A_368 : memref<1000000x64xf32, #tpu.memory_space<hbm>>) dst(%dma_wait3A_362 : memref<72x64xf32, #tpu.memory_space<vmem>>)
    %dma_wait3A_369 = arith.constant 7 : i32
    %dma_wait3A_370 = arith.constant 3 : i32
    %dma_wait3A_371 = arith.constant 0 : i32
    %dma_wait3A_372 = arith.constant 0 : i32
    %dma_wait3A_373 = tpu.memref_slice %arg7[%dma_wait3A_370, %dma_wait3A_371, %dma_wait3A_372] : memref<4x200x64xf32, #tpu.memory_space<vmem>> -> memref<1x128x64xf32, #tpu.memory_space<vmem>>
    %dma_wait3A_374 = tpu.memref_squeeze %dma_wait3A_373 : memref<1x128x64xf32, #tpu.memory_space<vmem>> -> memref<128x64xf32, #tpu.memory_space<vmem>>
    %dma_wait3A_375 = arith.constant 0 : i32
    %dma_wait3A_376 = tpu.memref_slice %arg5[%dma_wait3A_369, %dma_wait3A_375] : memref<128x200xi32, #tpu.memory_space<vmem>> -> memref<1x128xi32, #tpu.memory_space<vmem>>
    %dma_wait3A_377 = tpu.memref_squeeze %dma_wait3A_376 : memref<1x128xi32, #tpu.memory_space<vmem>> -> memref<128xi32, #tpu.memory_space<vmem>>
    %dma_wait3A_378 = arith.constant 0 : i32
    %dma_wait3A_379 = arith.constant 0 : i32
    %dma_wait3A_380 = tpu.memref_slice %arg3[%dma_wait3A_378, %dma_wait3A_379] : memref<1000000x64xf32, #tpu.memory_space<hbm>> -> memref<1000000x64xf32, #tpu.memory_space<hbm>>
    tpu.wait_indirect_dma semaphore(%arg8 : memref<!tpu.dma_semaphore, #tpu.memory_space<semaphore_mem>>) src(%dma_wait3A_380 : memref<1000000x64xf32, #tpu.memory_space<hbm>>) dst(%dma_wait3A_374 : memref<128x64xf32, #tpu.memory_space<vmem>>)
    %dma_wait3A_381 = arith.constant 7 : i32
    %dma_wait3A_382 = arith.constant 3 : i32
    %dma_wait3A_383 = arith.constant 128 : i32
    %dma_wait3A_384 = arith.constant 0 : i32
    %dma_wait3A_385 = tpu.memref_slice %arg7[%dma_wait3A_382, %dma_wait3A_383, %dma_wait3A_384] : memref<4x200x64xf32, #tpu.memory_space<vmem>> -> memref<1x72x64xf32, #tpu.memory_space<vmem>>
    %dma_wait3A_386 = tpu.memref_squeeze %dma_wait3A_385 : memref<1x72x64xf32, #tpu.memory_space<vmem>> -> memref<72x64xf32, #tpu.memory_space<vmem>>
    %dma_wait3A_387 = arith.constant 128 : i32
    %dma_wait3A_388 = tpu.memref_slice %arg5[%dma_wait3A_381, %dma_wait3A_387] : memref<128x200xi32, #tpu.memory_space<vmem>> -> memref<1x72xi32, #tpu.memory_space<vmem>>
    %dma_wait3A_389 = tpu.memref_squeeze %dma_wait3A_388 : memref<1x72xi32, #tpu.memory_space<vmem>> -> memref<72xi32, #tpu.memory_space<vmem>>
    %dma_wait3A_390 = arith.constant 0 : i32
    %dma_wait3A_391 = arith.constant 0 : i32
    %dma_wait3A_392 = tpu.memref_slice %arg3[%dma_wait3A_390, %dma_wait3A_391] : memref<1000000x64xf32, #tpu.memory_space<hbm>> -> memref<1000000x64xf32, #tpu.memory_space<hbm>>
    tpu.wait_indirect_dma semaphore(%arg8 : memref<!tpu.dma_semaphore, #tpu.memory_space<semaphore_mem>>) src(%dma_wait3A_392 : memref<1000000x64xf32, #tpu.memory_space<hbm>>) dst(%dma_wait3A_386 : memref<72x64xf32, #tpu.memory_space<vmem>>)
    %add3A_393 = arith.constant 4 : i32
    %add3A_394 = arith.addi %mul3A_2, %add3A_393 : i32
    %dma_start3A_395 = arith.constant 0 : i32
    %dma_start3A_396 = arith.constant 0 : i32
    %dma_start3A_397 = tpu.memref_slice %arg4[%add3A_394, %dma_start3A_395, %dma_start3A_396] : memref<4096x200x128xf32, #tpu.memory_space<hbm>> -> memref<4x200x64xf32, #tpu.memory_space<hbm>>
    %dma_start3A_398 = arith.constant 0 : i32
    %dma_start3A_399 = arith.constant 0 : i32
    %dma_start3A_400 = tpu.memref_slice %arg4[%add3A_394, %dma_start3A_398, %dma_start3A_399] : memref<4096x200x128xf32, #tpu.memory_space<hbm>> -> memref<4x200x64xf32, #tpu.memory_space<hbm>>
    tpu.enqueue_dma source(%arg7 : memref<4x200x64xf32, #tpu.memory_space<vmem>>) target(%dma_start3A_400 : memref<4x200x64xf32, #tpu.memory_space<hbm>>) target_semaphore(%arg10 : memref<!tpu.dma_semaphore, #tpu.memory_space<semaphore_mem>>)
    %scan3A = arith.constant 0 : i32
    %scan3A_401 = arith.constant 1 : i32
    %scan3A_402 = arith.constant 15 : i32
    %scan3A_403 = arith.addi %scan3A_401, %scan3A_402 : i32
    %scan3A_404 = arith.constant 1 : i32
    scf.for %scan3A_422 = %scan3A_401 to %scan3A_403 step %scan3A_404  : i32 {
      %mul3A_423 = arith.constant 2 : i32
      %mul3A_424 = arith.muli %mul3A_423, %scan3A_422 : i32
      %add3A_425 = arith.constant 0 : i32
      %add3A_426 = arith.addi %mul3A_424, %add3A_425 : i32
      %sub3A = arith.constant 2 : i32
      %sub3A_427 = arith.subi %add3A_426, %sub3A : i32
      %mul3A_428 = arith.constant 4 : i32
      %mul3A_429 = arith.muli %sub3A_427, %mul3A_428 : i32
      %add3A_430 = arith.addi %mul3A_2, %mul3A_429 : i32
      %dma_wait3A_431 = arith.constant 0 : i32
      %dma_wait3A_432 = arith.constant 0 : i32
      %dma_wait3A_433 = tpu.memref_slice %arg4[%add3A_430, %dma_wait3A_431, %dma_wait3A_432] : memref<4096x200x128xf32, #tpu.memory_space<hbm>> -> memref<4x200x64xf32, #tpu.memory_space<hbm>>
      %dma_wait3A_434 = arith.constant 0 : i32
      %dma_wait3A_435 = arith.constant 0 : i32
      %dma_wait3A_436 = tpu.memref_slice %arg4[%add3A_430, %dma_wait3A_434, %dma_wait3A_435] : memref<4096x200x128xf32, #tpu.memory_space<hbm>> -> memref<4x200x64xf32, #tpu.memory_space<hbm>>
      tpu.wait_dma2 semaphore(%arg9 : memref<!tpu.dma_semaphore, #tpu.memory_space<semaphore_mem>>) src(%arg6 : memref<4x200x64xf32, #tpu.memory_space<vmem>>) dst(%dma_wait3A_436 : memref<4x200x64xf32, #tpu.memory_space<hbm>>)
      %mul3A_437 = arith.constant 4 : i32
      %mul3A_438 = arith.muli %add3A_426, %mul3A_437 : i32
      %add3A_439 = arith.constant 0 : i32
      %add3A_440 = arith.addi %mul3A_438, %add3A_439 : i32
      %dma_start3A_441 = arith.constant 0 : i32
      %dma_start3A_442 = arith.constant 0 : i32
      %dma_start3A_443 = arith.constant 0 : i32
      %dma_start3A_444 = tpu.memref_slice %arg6[%dma_start3A_441, %dma_start3A_442, %dma_start3A_443] : memref<4x200x64xf32, #tpu.memory_space<vmem>> -> memref<1x128x64xf32, #tpu.memory_space<vmem>>
      %dma_start3A_445 = tpu.memref_squeeze %dma_start3A_444 : memref<1x128x64xf32, #tpu.memory_space<vmem>> -> memref<128x64xf32, #tpu.memory_space<vmem>>
      %dma_start3A_446 = arith.constant 0 : i32
      %dma_start3A_447 = tpu.memref_slice %arg5[%add3A_440, %dma_start3A_446] : memref<128x200xi32, #tpu.memory_space<vmem>> -> memref<1x128xi32, #tpu.memory_space<vmem>>
      %dma_start3A_448 = tpu.memref_squeeze %dma_start3A_447 : memref<1x128xi32, #tpu.memory_space<vmem>> -> memref<128xi32, #tpu.memory_space<vmem>>
      %dma_start3A_449 = arith.constant 0 : i32
      %dma_start3A_450 = arith.constant 0 : i32
      %dma_start3A_451 = tpu.memref_slice %arg3[%dma_start3A_449, %dma_start3A_450] : memref<1000000x64xf32, #tpu.memory_space<hbm>> -> memref<1000000x64xf32, #tpu.memory_space<hbm>>
      tpu.enqueue_indirect_dma source(%dma_start3A_451 : memref<1000000x64xf32, #tpu.memory_space<hbm>>) target(%dma_start3A_445 : memref<128x64xf32, #tpu.memory_space<vmem>>) offsets(%dma_start3A_448 : memref<128xi32, #tpu.memory_space<vmem>>) semaphore(%arg8 : memref<!tpu.dma_semaphore, #tpu.memory_space<semaphore_mem>>)
      %mul3A_452 = arith.constant 4 : i32
      %mul3A_453 = arith.muli %add3A_426, %mul3A_452 : i32
      %add3A_454 = arith.constant 0 : i32
      %add3A_455 = arith.addi %mul3A_453, %add3A_454 : i32
      %dma_start3A_456 = arith.constant 0 : i32
      %dma_start3A_457 = arith.constant 128 : i32
      %dma_start3A_458 = arith.constant 0 : i32
      %dma_start3A_459 = tpu.memref_slice %arg6[%dma_start3A_456, %dma_start3A_457, %dma_start3A_458] : memref<4x200x64xf32, #tpu.memory_space<vmem>> -> memref<1x72x64xf32, #tpu.memory_space<vmem>>
      %dma_start3A_460 = tpu.memref_squeeze %dma_start3A_459 : memref<1x72x64xf32, #tpu.memory_space<vmem>> -> memref<72x64xf32, #tpu.memory_space<vmem>>
      %dma_start3A_461 = arith.constant 128 : i32
      %dma_start3A_462 = tpu.memref_slice %arg5[%add3A_455, %dma_start3A_461] : memref<128x200xi32, #tpu.memory_space<vmem>> -> memref<1x72xi32, #tpu.memory_space<vmem>>
      %dma_start3A_463 = tpu.memref_squeeze %dma_start3A_462 : memref<1x72xi32, #tpu.memory_space<vmem>> -> memref<72xi32, #tpu.memory_space<vmem>>
      %dma_start3A_464 = arith.constant 0 : i32
      %dma_start3A_465 = arith.constant 0 : i32
      %dma_start3A_466 = tpu.memref_slice %arg3[%dma_start3A_464, %dma_start3A_465] : memref<1000000x64xf32, #tpu.memory_space<hbm>> -> memref<1000000x64xf32, #tpu.memory_space<hbm>>
      tpu.enqueue_indirect_dma source(%dma_start3A_466 : memref<1000000x64xf32, #tpu.memory_space<hbm>>) target(%dma_start3A_460 : memref<72x64xf32, #tpu.memory_space<vmem>>) offsets(%dma_start3A_463 : memref<72xi32, #tpu.memory_space<vmem>>) semaphore(%arg8 : memref<!tpu.dma_semaphore, #tpu.memory_space<semaphore_mem>>)
      %mul3A_467 = arith.constant 4 : i32
      %mul3A_468 = arith.muli %add3A_426, %mul3A_467 : i32
      %add3A_469 = arith.constant 1 : i32
      %add3A_470 = arith.addi %mul3A_468, %add3A_469 : i32
      %dma_start3A_471 = arith.constant 1 : i32
      %dma_start3A_472 = arith.constant 0 : i32
      %dma_start3A_473 = arith.constant 0 : i32
      %dma_start3A_474 = tpu.memref_slice %arg6[%dma_start3A_471, %dma_start3A_472, %dma_start3A_473] : memref<4x200x64xf32, #tpu.memory_space<vmem>> -> memref<1x128x64xf32, #tpu.memory_space<vmem>>
      %dma_start3A_475 = tpu.memref_squeeze %dma_start3A_474 : memref<1x128x64xf32, #tpu.memory_space<vmem>> -> memref<128x64xf32, #tpu.memory_space<vmem>>
      %dma_start3A_476 = arith.constant 0 : i32
      %dma_start3A_477 = tpu.memref_slice %arg5[%add3A_470, %dma_start3A_476] : memref<128x200xi32, #tpu.memory_space<vmem>> -> memref<1x128xi32, #tpu.memory_space<vmem>>
      %dma_start3A_478 = tpu.memref_squeeze %dma_start3A_477 : memref<1x128xi32, #tpu.memory_space<vmem>> -> memref<128xi32, #tpu.memory_space<vmem>>
      %dma_start3A_479 = arith.constant 0 : i32
      %dma_start3A_480 = arith.constant 0 : i32
      %dma_start3A_481 = tpu.memref_slice %arg3[%dma_start3A_479, %dma_start3A_480] : memref<1000000x64xf32, #tpu.memory_space<hbm>> -> memref<1000000x64xf32, #tpu.memory_space<hbm>>
      tpu.enqueue_indirect_dma source(%dma_start3A_481 : memref<1000000x64xf32, #tpu.memory_space<hbm>>) target(%dma_start3A_475 : memref<128x64xf32, #tpu.memory_space<vmem>>) offsets(%dma_start3A_478 : memref<128xi32, #tpu.memory_space<vmem>>) semaphore(%arg8 : memref<!tpu.dma_semaphore, #tpu.memory_space<semaphore_mem>>)
      %mul3A_482 = arith.constant 4 : i32
      %mul3A_483 = arith.muli %add3A_426, %mul3A_482 : i32
      %add3A_484 = arith.constant 1 : i32
      %add3A_485 = arith.addi %mul3A_483, %add3A_484 : i32
      %dma_start3A_486 = arith.constant 1 : i32
      %dma_start3A_487 = arith.constant 128 : i32
      %dma_start3A_488 = arith.constant 0 : i32
      %dma_start3A_489 = tpu.memref_slice %arg6[%dma_start3A_486, %dma_start3A_487, %dma_start3A_488] : memref<4x200x64xf32, #tpu.memory_space<vmem>> -> memref<1x72x64xf32, #tpu.memory_space<vmem>>
      %dma_start3A_490 = tpu.memref_squeeze %dma_start3A_489 : memref<1x72x64xf32, #tpu.memory_space<vmem>> -> memref<72x64xf32, #tpu.memory_space<vmem>>
      %dma_start3A_491 = arith.constant 128 : i32
      %dma_start3A_492 = tpu.memref_slice %arg5[%add3A_485, %dma_start3A_491] : memref<128x200xi32, #tpu.memory_space<vmem>> -> memref<1x72xi32, #tpu.memory_space<vmem>>
      %dma_start3A_493 = tpu.memref_squeeze %dma_start3A_492 : memref<1x72xi32, #tpu.memory_space<vmem>> -> memref<72xi32, #tpu.memory_space<vmem>>
      %dma_start3A_494 = arith.constant 0 : i32
      %dma_start3A_495 = arith.constant 0 : i32
      %dma_start3A_496 = tpu.memref_slice %arg3[%dma_start3A_494, %dma_start3A_495] : memref<1000000x64xf32, #tpu.memory_space<hbm>> -> memref<1000000x64xf32, #tpu.memory_space<hbm>>
      tpu.enqueue_indirect_dma source(%dma_start3A_496 : memref<1000000x64xf32, #tpu.memory_space<hbm>>) target(%dma_start3A_490 : memref<72x64xf32, #tpu.memory_space<vmem>>) offsets(%dma_start3A_493 : memref<72xi32, #tpu.memory_space<vmem>>) semaphore(%arg8 : memref<!tpu.dma_semaphore, #tpu.memory_space<semaphore_mem>>)
      %mul3A_497 = arith.constant 4 : i32
      %mul3A_498 = arith.muli %add3A_426, %mul3A_497 : i32
      %add3A_499 = arith.constant 2 : i32
      %add3A_500 = arith.addi %mul3A_498, %add3A_499 : i32
      %dma_start3A_501 = arith.constant 2 : i32
      %dma_start3A_502 = arith.constant 0 : i32
      %dma_start3A_503 = arith.constant 0 : i32
      %dma_start3A_504 = tpu.memref_slice %arg6[%dma_start3A_501, %dma_start3A_502, %dma_start3A_503] : memref<4x200x64xf32, #tpu.memory_space<vmem>> -> memref<1x128x64xf32, #tpu.memory_space<vmem>>
      %dma_start3A_505 = tpu.memref_squeeze %dma_start3A_504 : memref<1x128x64xf32, #tpu.memory_space<vmem>> -> memref<128x64xf32, #tpu.memory_space<vmem>>
      %dma_start3A_506 = arith.constant 0 : i32
      %dma_start3A_507 = tpu.memref_slice %arg5[%add3A_500, %dma_start3A_506] : memref<128x200xi32, #tpu.memory_space<vmem>> -> memref<1x128xi32, #tpu.memory_space<vmem>>
      %dma_start3A_508 = tpu.memref_squeeze %dma_start3A_507 : memref<1x128xi32, #tpu.memory_space<vmem>> -> memref<128xi32, #tpu.memory_space<vmem>>
      %dma_start3A_509 = arith.constant 0 : i32
      %dma_start3A_510 = arith.constant 0 : i32
      %dma_start3A_511 = tpu.memref_slice %arg3[%dma_start3A_509, %dma_start3A_510] : memref<1000000x64xf32, #tpu.memory_space<hbm>> -> memref<1000000x64xf32, #tpu.memory_space<hbm>>
      tpu.enqueue_indirect_dma source(%dma_start3A_511 : memref<1000000x64xf32, #tpu.memory_space<hbm>>) target(%dma_start3A_505 : memref<128x64xf32, #tpu.memory_space<vmem>>) offsets(%dma_start3A_508 : memref<128xi32, #tpu.memory_space<vmem>>) semaphore(%arg8 : memref<!tpu.dma_semaphore, #tpu.memory_space<semaphore_mem>>)
      %mul3A_512 = arith.constant 4 : i32
      %mul3A_513 = arith.muli %add3A_426, %mul3A_512 : i32
      %add3A_514 = arith.constant 2 : i32
      %add3A_515 = arith.addi %mul3A_513, %add3A_514 : i32
      %dma_start3A_516 = arith.constant 2 : i32
      %dma_start3A_517 = arith.constant 128 : i32
      %dma_start3A_518 = arith.constant 0 : i32
      %dma_start3A_519 = tpu.memref_slice %arg6[%dma_start3A_516, %dma_start3A_517, %dma_start3A_518] : memref<4x200x64xf32, #tpu.memory_space<vmem>> -> memref<1x72x64xf32, #tpu.memory_space<vmem>>
      %dma_start3A_520 = tpu.memref_squeeze %dma_start3A_519 : memref<1x72x64xf32, #tpu.memory_space<vmem>> -> memref<72x64xf32, #tpu.memory_space<vmem>>
      %dma_start3A_521 = arith.constant 128 : i32
      %dma_start3A_522 = tpu.memref_slice %arg5[%add3A_515, %dma_start3A_521] : memref<128x200xi32, #tpu.memory_space<vmem>> -> memref<1x72xi32, #tpu.memory_space<vmem>>
      %dma_start3A_523 = tpu.memref_squeeze %dma_start3A_522 : memref<1x72xi32, #tpu.memory_space<vmem>> -> memref<72xi32, #tpu.memory_space<vmem>>
      %dma_start3A_524 = arith.constant 0 : i32
      %dma_start3A_525 = arith.constant 0 : i32
      %dma_start3A_526 = tpu.memref_slice %arg3[%dma_start3A_524, %dma_start3A_525] : memref<1000000x64xf32, #tpu.memory_space<hbm>> -> memref<1000000x64xf32, #tpu.memory_space<hbm>>
      tpu.enqueue_indirect_dma source(%dma_start3A_526 : memref<1000000x64xf32, #tpu.memory_space<hbm>>) target(%dma_start3A_520 : memref<72x64xf32, #tpu.memory_space<vmem>>) offsets(%dma_start3A_523 : memref<72xi32, #tpu.memory_space<vmem>>) semaphore(%arg8 : memref<!tpu.dma_semaphore, #tpu.memory_space<semaphore_mem>>)
      %mul3A_527 = arith.constant 4 : i32
      %mul3A_528 = arith.muli %add3A_426, %mul3A_527 : i32
      %add3A_529 = arith.constant 3 : i32
      %add3A_530 = arith.addi %mul3A_528, %add3A_529 : i32
      %dma_start3A_531 = arith.constant 3 : i32
      %dma_start3A_532 = arith.constant 0 : i32
      %dma_start3A_533 = arith.constant 0 : i32
      %dma_start3A_534 = tpu.memref_slice %arg6[%dma_start3A_531, %dma_start3A_532, %dma_start3A_533] : memref<4x200x64xf32, #tpu.memory_space<vmem>> -> memref<1x128x64xf32, #tpu.memory_space<vmem>>
      %dma_start3A_535 = tpu.memref_squeeze %dma_start3A_534 : memref<1x128x64xf32, #tpu.memory_space<vmem>> -> memref<128x64xf32, #tpu.memory_space<vmem>>
      %dma_start3A_536 = arith.constant 0 : i32
      %dma_start3A_537 = tpu.memref_slice %arg5[%add3A_530, %dma_start3A_536] : memref<128x200xi32, #tpu.memory_space<vmem>> -> memref<1x128xi32, #tpu.memory_space<vmem>>
      %dma_start3A_538 = tpu.memref_squeeze %dma_start3A_537 : memref<1x128xi32, #tpu.memory_space<vmem>> -> memref<128xi32, #tpu.memory_space<vmem>>
      %dma_start3A_539 = arith.constant 0 : i32
      %dma_start3A_540 = arith.constant 0 : i32
      %dma_start3A_541 = tpu.memref_slice %arg3[%dma_start3A_539, %dma_start3A_540] : memref<1000000x64xf32, #tpu.memory_space<hbm>> -> memref<1000000x64xf32, #tpu.memory_space<hbm>>
      tpu.enqueue_indirect_dma source(%dma_start3A_541 : memref<1000000x64xf32, #tpu.memory_space<hbm>>) target(%dma_start3A_535 : memref<128x64xf32, #tpu.memory_space<vmem>>) offsets(%dma_start3A_538 : memref<128xi32, #tpu.memory_space<vmem>>) semaphore(%arg8 : memref<!tpu.dma_semaphore, #tpu.memory_space<semaphore_mem>>)
      %mul3A_542 = arith.constant 4 : i32
      %mul3A_543 = arith.muli %add3A_426, %mul3A_542 : i32
      %add3A_544 = arith.constant 3 : i32
      %add3A_545 = arith.addi %mul3A_543, %add3A_544 : i32
      %dma_start3A_546 = arith.constant 3 : i32
      %dma_start3A_547 = arith.constant 128 : i32
      %dma_start3A_548 = arith.constant 0 : i32
      %dma_start3A_549 = tpu.memref_slice %arg6[%dma_start3A_546, %dma_start3A_547, %dma_start3A_548] : memref<4x200x64xf32, #tpu.memory_space<vmem>> -> memref<1x72x64xf32, #tpu.memory_space<vmem>>
      %dma_start3A_550 = tpu.memref_squeeze %dma_start3A_549 : memref<1x72x64xf32, #tpu.memory_space<vmem>> -> memref<72x64xf32, #tpu.memory_space<vmem>>
      %dma_start3A_551 = arith.constant 128 : i32
      %dma_start3A_552 = tpu.memref_slice %arg5[%add3A_545, %dma_start3A_551] : memref<128x200xi32, #tpu.memory_space<vmem>> -> memref<1x72xi32, #tpu.memory_space<vmem>>
      %dma_start3A_553 = tpu.memref_squeeze %dma_start3A_552 : memref<1x72xi32, #tpu.memory_space<vmem>> -> memref<72xi32, #tpu.memory_space<vmem>>
      %dma_start3A_554 = arith.constant 0 : i32
      %dma_start3A_555 = arith.constant 0 : i32
      %dma_start3A_556 = tpu.memref_slice %arg3[%dma_start3A_554, %dma_start3A_555] : memref<1000000x64xf32, #tpu.memory_space<hbm>> -> memref<1000000x64xf32, #tpu.memory_space<hbm>>
      tpu.enqueue_indirect_dma source(%dma_start3A_556 : memref<1000000x64xf32, #tpu.memory_space<hbm>>) target(%dma_start3A_550 : memref<72x64xf32, #tpu.memory_space<vmem>>) offsets(%dma_start3A_553 : memref<72xi32, #tpu.memory_space<vmem>>) semaphore(%arg8 : memref<!tpu.dma_semaphore, #tpu.memory_space<semaphore_mem>>)
      %dma_wait3A_557 = arith.constant 0 : i32
      %dma_wait3A_558 = arith.constant 0 : i32
      %dma_wait3A_559 = arith.constant 0 : i32
      %dma_wait3A_560 = tpu.memref_slice %arg6[%dma_wait3A_557, %dma_wait3A_558, %dma_wait3A_559] : memref<4x200x64xf32, #tpu.memory_space<vmem>> -> memref<1x128x64xf32, #tpu.memory_space<vmem>>
      %dma_wait3A_561 = tpu.memref_squeeze %dma_wait3A_560 : memref<1x128x64xf32, #tpu.memory_space<vmem>> -> memref<128x64xf32, #tpu.memory_space<vmem>>
      %dma_wait3A_562 = arith.constant 0 : i32
      %dma_wait3A_563 = tpu.memref_slice %arg5[%add3A_440, %dma_wait3A_562] : memref<128x200xi32, #tpu.memory_space<vmem>> -> memref<1x128xi32, #tpu.memory_space<vmem>>
      %dma_wait3A_564 = tpu.memref_squeeze %dma_wait3A_563 : memref<1x128xi32, #tpu.memory_space<vmem>> -> memref<128xi32, #tpu.memory_space<vmem>>
      %dma_wait3A_565 = arith.constant 0 : i32
      %dma_wait3A_566 = arith.constant 0 : i32
      %dma_wait3A_567 = tpu.memref_slice %arg3[%dma_wait3A_565, %dma_wait3A_566] : memref<1000000x64xf32, #tpu.memory_space<hbm>> -> memref<1000000x64xf32, #tpu.memory_space<hbm>>
      tpu.wait_indirect_dma semaphore(%arg8 : memref<!tpu.dma_semaphore, #tpu.memory_space<semaphore_mem>>) src(%dma_wait3A_567 : memref<1000000x64xf32, #tpu.memory_space<hbm>>) dst(%dma_wait3A_561 : memref<128x64xf32, #tpu.memory_space<vmem>>)
      %dma_wait3A_568 = arith.constant 0 : i32
      %dma_wait3A_569 = arith.constant 128 : i32
      %dma_wait3A_570 = arith.constant 0 : i32
      %dma_wait3A_571 = tpu.memref_slice %arg6[%dma_wait3A_568, %dma_wait3A_569, %dma_wait3A_570] : memref<4x200x64xf32, #tpu.memory_space<vmem>> -> memref<1x72x64xf32, #tpu.memory_space<vmem>>
      %dma_wait3A_572 = tpu.memref_squeeze %dma_wait3A_571 : memref<1x72x64xf32, #tpu.memory_space<vmem>> -> memref<72x64xf32, #tpu.memory_space<vmem>>
      %dma_wait3A_573 = arith.constant 128 : i32
      %dma_wait3A_574 = tpu.memref_slice %arg5[%add3A_455, %dma_wait3A_573] : memref<128x200xi32, #tpu.memory_space<vmem>> -> memref<1x72xi32, #tpu.memory_space<vmem>>
      %dma_wait3A_575 = tpu.memref_squeeze %dma_wait3A_574 : memref<1x72xi32, #tpu.memory_space<vmem>> -> memref<72xi32, #tpu.memory_space<vmem>>
      %dma_wait3A_576 = arith.constant 0 : i32
      %dma_wait3A_577 = arith.constant 0 : i32
      %dma_wait3A_578 = tpu.memref_slice %arg3[%dma_wait3A_576, %dma_wait3A_577] : memref<1000000x64xf32, #tpu.memory_space<hbm>> -> memref<1000000x64xf32, #tpu.memory_space<hbm>>
      tpu.wait_indirect_dma semaphore(%arg8 : memref<!tpu.dma_semaphore, #tpu.memory_space<semaphore_mem>>) src(%dma_wait3A_578 : memref<1000000x64xf32, #tpu.memory_space<hbm>>) dst(%dma_wait3A_572 : memref<72x64xf32, #tpu.memory_space<vmem>>)
      %dma_wait3A_579 = arith.constant 1 : i32
      %dma_wait3A_580 = arith.constant 0 : i32
      %dma_wait3A_581 = arith.constant 0 : i32
      %dma_wait3A_582 = tpu.memref_slice %arg6[%dma_wait3A_579, %dma_wait3A_580, %dma_wait3A_581] : memref<4x200x64xf32, #tpu.memory_space<vmem>> -> memref<1x128x64xf32, #tpu.memory_space<vmem>>
      %dma_wait3A_583 = tpu.memref_squeeze %dma_wait3A_582 : memref<1x128x64xf32, #tpu.memory_space<vmem>> -> memref<128x64xf32, #tpu.memory_space<vmem>>
      %dma_wait3A_584 = arith.constant 0 : i32
      %dma_wait3A_585 = tpu.memref_slice %arg5[%add3A_470, %dma_wait3A_584] : memref<128x200xi32, #tpu.memory_space<vmem>> -> memref<1x128xi32, #tpu.memory_space<vmem>>
      %dma_wait3A_586 = tpu.memref_squeeze %dma_wait3A_585 : memref<1x128xi32, #tpu.memory_space<vmem>> -> memref<128xi32, #tpu.memory_space<vmem>>
      %dma_wait3A_587 = arith.constant 0 : i32
      %dma_wait3A_588 = arith.constant 0 : i32
      %dma_wait3A_589 = tpu.memref_slice %arg3[%dma_wait3A_587, %dma_wait3A_588] : memref<1000000x64xf32, #tpu.memory_space<hbm>> -> memref<1000000x64xf32, #tpu.memory_space<hbm>>
      tpu.wait_indirect_dma semaphore(%arg8 : memref<!tpu.dma_semaphore, #tpu.memory_space<semaphore_mem>>) src(%dma_wait3A_589 : memref<1000000x64xf32, #tpu.memory_space<hbm>>) dst(%dma_wait3A_583 : memref<128x64xf32, #tpu.memory_space<vmem>>)
      %dma_wait3A_590 = arith.constant 1 : i32
      %dma_wait3A_591 = arith.constant 128 : i32
      %dma_wait3A_592 = arith.constant 0 : i32
      %dma_wait3A_593 = tpu.memref_slice %arg6[%dma_wait3A_590, %dma_wait3A_591, %dma_wait3A_592] : memref<4x200x64xf32, #tpu.memory_space<vmem>> -> memref<1x72x64xf32, #tpu.memory_space<vmem>>
      %dma_wait3A_594 = tpu.memref_squeeze %dma_wait3A_593 : memref<1x72x64xf32, #tpu.memory_space<vmem>> -> memref<72x64xf32, #tpu.memory_space<vmem>>
      %dma_wait3A_595 = arith.constant 128 : i32
      %dma_wait3A_596 = tpu.memref_slice %arg5[%add3A_485, %dma_wait3A_595] : memref<128x200xi32, #tpu.memory_space<vmem>> -> memref<1x72xi32, #tpu.memory_space<vmem>>
      %dma_wait3A_597 = tpu.memref_squeeze %dma_wait3A_596 : memref<1x72xi32, #tpu.memory_space<vmem>> -> memref<72xi32, #tpu.memory_space<vmem>>
      %dma_wait3A_598 = arith.constant 0 : i32
      %dma_wait3A_599 = arith.constant 0 : i32
      %dma_wait3A_600 = tpu.memref_slice %arg3[%dma_wait3A_598, %dma_wait3A_599] : memref<1000000x64xf32, #tpu.memory_space<hbm>> -> memref<1000000x64xf32, #tpu.memory_space<hbm>>
      tpu.wait_indirect_dma semaphore(%arg8 : memref<!tpu.dma_semaphore, #tpu.memory_space<semaphore_mem>>) src(%dma_wait3A_600 : memref<1000000x64xf32, #tpu.memory_space<hbm>>) dst(%dma_wait3A_594 : memref<72x64xf32, #tpu.memory_space<vmem>>)
      %dma_wait3A_601 = arith.constant 2 : i32
      %dma_wait3A_602 = arith.constant 0 : i32
      %dma_wait3A_603 = arith.constant 0 : i32
      %dma_wait3A_604 = tpu.memref_slice %arg6[%dma_wait3A_601, %dma_wait3A_602, %dma_wait3A_603] : memref<4x200x64xf32, #tpu.memory_space<vmem>> -> memref<1x128x64xf32, #tpu.memory_space<vmem>>
      %dma_wait3A_605 = tpu.memref_squeeze %dma_wait3A_604 : memref<1x128x64xf32, #tpu.memory_space<vmem>> -> memref<128x64xf32, #tpu.memory_space<vmem>>
      %dma_wait3A_606 = arith.constant 0 : i32
      %dma_wait3A_607 = tpu.memref_slice %arg5[%add3A_500, %dma_wait3A_606] : memref<128x200xi32, #tpu.memory_space<vmem>> -> memref<1x128xi32, #tpu.memory_space<vmem>>
      %dma_wait3A_608 = tpu.memref_squeeze %dma_wait3A_607 : memref<1x128xi32, #tpu.memory_space<vmem>> -> memref<128xi32, #tpu.memory_space<vmem>>
      %dma_wait3A_609 = arith.constant 0 : i32
      %dma_wait3A_610 = arith.constant 0 : i32
      %dma_wait3A_611 = tpu.memref_slice %arg3[%dma_wait3A_609, %dma_wait3A_610] : memref<1000000x64xf32, #tpu.memory_space<hbm>> -> memref<1000000x64xf32, #tpu.memory_space<hbm>>
      tpu.wait_indirect_dma semaphore(%arg8 : memref<!tpu.dma_semaphore, #tpu.memory_space<semaphore_mem>>) src(%dma_wait3A_611 : memref<1000000x64xf32, #tpu.memory_space<hbm>>) dst(%dma_wait3A_605 : memref<128x64xf32, #tpu.memory_space<vmem>>)
      %dma_wait3A_612 = arith.constant 2 : i32
      %dma_wait3A_613 = arith.constant 128 : i32
      %dma_wait3A_614 = arith.constant 0 : i32
      %dma_wait3A_615 = tpu.memref_slice %arg6[%dma_wait3A_612, %dma_wait3A_613, %dma_wait3A_614] : memref<4x200x64xf32, #tpu.memory_space<vmem>> -> memref<1x72x64xf32, #tpu.memory_space<vmem>>
      %dma_wait3A_616 = tpu.memref_squeeze %dma_wait3A_615 : memref<1x72x64xf32, #tpu.memory_space<vmem>> -> memref<72x64xf32, #tpu.memory_space<vmem>>
      %dma_wait3A_617 = arith.constant 128 : i32
      %dma_wait3A_618 = tpu.memref_slice %arg5[%add3A_515, %dma_wait3A_617] : memref<128x200xi32, #tpu.memory_space<vmem>> -> memref<1x72xi32, #tpu.memory_space<vmem>>
      %dma_wait3A_619 = tpu.memref_squeeze %dma_wait3A_618 : memref<1x72xi32, #tpu.memory_space<vmem>> -> memref<72xi32, #tpu.memory_space<vmem>>
      %dma_wait3A_620 = arith.constant 0 : i32
      %dma_wait3A_621 = arith.constant 0 : i32
      %dma_wait3A_622 = tpu.memref_slice %arg3[%dma_wait3A_620, %dma_wait3A_621] : memref<1000000x64xf32, #tpu.memory_space<hbm>> -> memref<1000000x64xf32, #tpu.memory_space<hbm>>
      tpu.wait_indirect_dma semaphore(%arg8 : memref<!tpu.dma_semaphore, #tpu.memory_space<semaphore_mem>>) src(%dma_wait3A_622 : memref<1000000x64xf32, #tpu.memory_space<hbm>>) dst(%dma_wait3A_616 : memref<72x64xf32, #tpu.memory_space<vmem>>)
      %dma_wait3A_623 = arith.constant 3 : i32
      %dma_wait3A_624 = arith.constant 0 : i32
      %dma_wait3A_625 = arith.constant 0 : i32
      %dma_wait3A_626 = tpu.memref_slice %arg6[%dma_wait3A_623, %dma_wait3A_624, %dma_wait3A_625] : memref<4x200x64xf32, #tpu.memory_space<vmem>> -> memref<1x128x64xf32, #tpu.memory_space<vmem>>
      %dma_wait3A_627 = tpu.memref_squeeze %dma_wait3A_626 : memref<1x128x64xf32, #tpu.memory_space<vmem>> -> memref<128x64xf32, #tpu.memory_space<vmem>>
      %dma_wait3A_628 = arith.constant 0 : i32
      %dma_wait3A_629 = tpu.memref_slice %arg5[%add3A_530, %dma_wait3A_628] : memref<128x200xi32, #tpu.memory_space<vmem>> -> memref<1x128xi32, #tpu.memory_space<vmem>>
      %dma_wait3A_630 = tpu.memref_squeeze %dma_wait3A_629 : memref<1x128xi32, #tpu.memory_space<vmem>> -> memref<128xi32, #tpu.memory_space<vmem>>
      %dma_wait3A_631 = arith.constant 0 : i32
      %dma_wait3A_632 = arith.constant 0 : i32
      %dma_wait3A_633 = tpu.memref_slice %arg3[%dma_wait3A_631, %dma_wait3A_632] : memref<1000000x64xf32, #tpu.memory_space<hbm>> -> memref<1000000x64xf32, #tpu.memory_space<hbm>>
      tpu.wait_indirect_dma semaphore(%arg8 : memref<!tpu.dma_semaphore, #tpu.memory_space<semaphore_mem>>) src(%dma_wait3A_633 : memref<1000000x64xf32, #tpu.memory_space<hbm>>) dst(%dma_wait3A_627 : memref<128x64xf32, #tpu.memory_space<vmem>>)
      %dma_wait3A_634 = arith.constant 3 : i32
      %dma_wait3A_635 = arith.constant 128 : i32
      %dma_wait3A_636 = arith.constant 0 : i32
      %dma_wait3A_637 = tpu.memref_slice %arg6[%dma_wait3A_634, %dma_wait3A_635, %dma_wait3A_636] : memref<4x200x64xf32, #tpu.memory_space<vmem>> -> memref<1x72x64xf32, #tpu.memory_space<vmem>>
      %dma_wait3A_638 = tpu.memref_squeeze %dma_wait3A_637 : memref<1x72x64xf32, #tpu.memory_space<vmem>> -> memref<72x64xf32, #tpu.memory_space<vmem>>
      %dma_wait3A_639 = arith.constant 128 : i32
      %dma_wait3A_640 = tpu.memref_slice %arg5[%add3A_545, %dma_wait3A_639] : memref<128x200xi32, #tpu.memory_space<vmem>> -> memref<1x72xi32, #tpu.memory_space<vmem>>
      %dma_wait3A_641 = tpu.memref_squeeze %dma_wait3A_640 : memref<1x72xi32, #tpu.memory_space<vmem>> -> memref<72xi32, #tpu.memory_space<vmem>>
      %dma_wait3A_642 = arith.constant 0 : i32
      %dma_wait3A_643 = arith.constant 0 : i32
      %dma_wait3A_644 = tpu.memref_slice %arg3[%dma_wait3A_642, %dma_wait3A_643] : memref<1000000x64xf32, #tpu.memory_space<hbm>> -> memref<1000000x64xf32, #tpu.memory_space<hbm>>
      tpu.wait_indirect_dma semaphore(%arg8 : memref<!tpu.dma_semaphore, #tpu.memory_space<semaphore_mem>>) src(%dma_wait3A_644 : memref<1000000x64xf32, #tpu.memory_space<hbm>>) dst(%dma_wait3A_638 : memref<72x64xf32, #tpu.memory_space<vmem>>)
      %mul3A_645 = arith.constant 4 : i32
      %mul3A_646 = arith.muli %add3A_426, %mul3A_645 : i32
      %add3A_647 = arith.addi %mul3A_2, %mul3A_646 : i32
      %dma_start3A_648 = arith.constant 0 : i32
      %dma_start3A_649 = arith.constant 0 : i32
      %dma_start3A_650 = tpu.memref_slice %arg4[%add3A_647, %dma_start3A_648, %dma_start3A_649] : memref<4096x200x128xf32, #tpu.memory_space<hbm>> -> memref<4x200x64xf32, #tpu.memory_space<hbm>>
      %dma_start3A_651 = arith.constant 0 : i32
      %dma_start3A_652 = arith.constant 0 : i32
      %dma_start3A_653 = tpu.memref_slice %arg4[%add3A_647, %dma_start3A_651, %dma_start3A_652] : memref<4096x200x128xf32, #tpu.memory_space<hbm>> -> memref<4x200x64xf32, #tpu.memory_space<hbm>>
      tpu.enqueue_dma source(%arg6 : memref<4x200x64xf32, #tpu.memory_space<vmem>>) target(%dma_start3A_653 : memref<4x200x64xf32, #tpu.memory_space<hbm>>) target_semaphore(%arg9 : memref<!tpu.dma_semaphore, #tpu.memory_space<semaphore_mem>>)
      %mul3A_654 = arith.constant 2 : i32
      %mul3A_655 = arith.muli %mul3A_654, %scan3A_422 : i32
      %add3A_656 = arith.constant 1 : i32
      %add3A_657 = arith.addi %mul3A_655, %add3A_656 : i32
      %sub3A_658 = arith.constant 2 : i32
      %sub3A_659 = arith.subi %add3A_657, %sub3A_658 : i32
      %mul3A_660 = arith.constant 4 : i32
      %mul3A_661 = arith.muli %sub3A_659, %mul3A_660 : i32
      %add3A_662 = arith.addi %mul3A_2, %mul3A_661 : i32
      %dma_wait3A_663 = arith.constant 0 : i32
      %dma_wait3A_664 = arith.constant 0 : i32
      %dma_wait3A_665 = tpu.memref_slice %arg4[%add3A_662, %dma_wait3A_663, %dma_wait3A_664] : memref<4096x200x128xf32, #tpu.memory_space<hbm>> -> memref<4x200x64xf32, #tpu.memory_space<hbm>>
      %dma_wait3A_666 = arith.constant 0 : i32
      %dma_wait3A_667 = arith.constant 0 : i32
      %dma_wait3A_668 = tpu.memref_slice %arg4[%add3A_662, %dma_wait3A_666, %dma_wait3A_667] : memref<4096x200x128xf32, #tpu.memory_space<hbm>> -> memref<4x200x64xf32, #tpu.memory_space<hbm>>
      tpu.wait_dma2 semaphore(%arg10 : memref<!tpu.dma_semaphore, #tpu.memory_space<semaphore_mem>>) src(%arg7 : memref<4x200x64xf32, #tpu.memory_space<vmem>>) dst(%dma_wait3A_668 : memref<4x200x64xf32, #tpu.memory_space<hbm>>)
      %mul3A_669 = arith.constant 4 : i32
      %mul3A_670 = arith.muli %add3A_657, %mul3A_669 : i32
      %add3A_671 = arith.constant 0 : i32
      %add3A_672 = arith.addi %mul3A_670, %add3A_671 : i32
      %dma_start3A_673 = arith.constant 0 : i32
      %dma_start3A_674 = arith.constant 0 : i32
      %dma_start3A_675 = arith.constant 0 : i32
      %dma_start3A_676 = tpu.memref_slice %arg7[%dma_start3A_673, %dma_start3A_674, %dma_start3A_675] : memref<4x200x64xf32, #tpu.memory_space<vmem>> -> memref<1x128x64xf32, #tpu.memory_space<vmem>>
      %dma_start3A_677 = tpu.memref_squeeze %dma_start3A_676 : memref<1x128x64xf32, #tpu.memory_space<vmem>> -> memref<128x64xf32, #tpu.memory_space<vmem>>
      %dma_start3A_678 = arith.constant 0 : i32
      %dma_start3A_679 = tpu.memref_slice %arg5[%add3A_672, %dma_start3A_678] : memref<128x200xi32, #tpu.memory_space<vmem>> -> memref<1x128xi32, #tpu.memory_space<vmem>>
      %dma_start3A_680 = tpu.memref_squeeze %dma_start3A_679 : memref<1x128xi32, #tpu.memory_space<vmem>> -> memref<128xi32, #tpu.memory_space<vmem>>
      %dma_start3A_681 = arith.constant 0 : i32
      %dma_start3A_682 = arith.constant 0 : i32
      %dma_start3A_683 = tpu.memref_slice %arg3[%dma_start3A_681, %dma_start3A_682] : memref<1000000x64xf32, #tpu.memory_space<hbm>> -> memref<1000000x64xf32, #tpu.memory_space<hbm>>
      tpu.enqueue_indirect_dma source(%dma_start3A_683 : memref<1000000x64xf32, #tpu.memory_space<hbm>>) target(%dma_start3A_677 : memref<128x64xf32, #tpu.memory_space<vmem>>) offsets(%dma_start3A_680 : memref<128xi32, #tpu.memory_space<vmem>>) semaphore(%arg8 : memref<!tpu.dma_semaphore, #tpu.memory_space<semaphore_mem>>)
      %mul3A_684 = arith.constant 4 : i32
      %mul3A_685 = arith.muli %add3A_657, %mul3A_684 : i32
      %add3A_686 = arith.constant 0 : i32
      %add3A_687 = arith.addi %mul3A_685, %add3A_686 : i32
      %dma_start3A_688 = arith.constant 0 : i32
      %dma_start3A_689 = arith.constant 128 : i32
      %dma_start3A_690 = arith.constant 0 : i32
      %dma_start3A_691 = tpu.memref_slice %arg7[%dma_start3A_688, %dma_start3A_689, %dma_start3A_690] : memref<4x200x64xf32, #tpu.memory_space<vmem>> -> memref<1x72x64xf32, #tpu.memory_space<vmem>>
      %dma_start3A_692 = tpu.memref_squeeze %dma_start3A_691 : memref<1x72x64xf32, #tpu.memory_space<vmem>> -> memref<72x64xf32, #tpu.memory_space<vmem>>
      %dma_start3A_693 = arith.constant 128 : i32
      %dma_start3A_694 = tpu.memref_slice %arg5[%add3A_687, %dma_start3A_693] : memref<128x200xi32, #tpu.memory_space<vmem>> -> memref<1x72xi32, #tpu.memory_space<vmem>>
      %dma_start3A_695 = tpu.memref_squeeze %dma_start3A_694 : memref<1x72xi32, #tpu.memory_space<vmem>> -> memref<72xi32, #tpu.memory_space<vmem>>
      %dma_start3A_696 = arith.constant 0 : i32
      %dma_start3A_697 = arith.constant 0 : i32
      %dma_start3A_698 = tpu.memref_slice %arg3[%dma_start3A_696, %dma_start3A_697] : memref<1000000x64xf32, #tpu.memory_space<hbm>> -> memref<1000000x64xf32, #tpu.memory_space<hbm>>
      tpu.enqueue_indirect_dma source(%dma_start3A_698 : memref<1000000x64xf32, #tpu.memory_space<hbm>>) target(%dma_start3A_692 : memref<72x64xf32, #tpu.memory_space<vmem>>) offsets(%dma_start3A_695 : memref<72xi32, #tpu.memory_space<vmem>>) semaphore(%arg8 : memref<!tpu.dma_semaphore, #tpu.memory_space<semaphore_mem>>)
      %mul3A_699 = arith.constant 4 : i32
      %mul3A_700 = arith.muli %add3A_657, %mul3A_699 : i32
      %add3A_701 = arith.constant 1 : i32
      %add3A_702 = arith.addi %mul3A_700, %add3A_701 : i32
      %dma_start3A_703 = arith.constant 1 : i32
      %dma_start3A_704 = arith.constant 0 : i32
      %dma_start3A_705 = arith.constant 0 : i32
      %dma_start3A_706 = tpu.memref_slice %arg7[%dma_start3A_703, %dma_start3A_704, %dma_start3A_705] : memref<4x200x64xf32, #tpu.memory_space<vmem>> -> memref<1x128x64xf32, #tpu.memory_space<vmem>>
      %dma_start3A_707 = tpu.memref_squeeze %dma_start3A_706 : memref<1x128x64xf32, #tpu.memory_space<vmem>> -> memref<128x64xf32, #tpu.memory_space<vmem>>
      %dma_start3A_708 = arith.constant 0 : i32
      %dma_start3A_709 = tpu.memref_slice %arg5[%add3A_702, %dma_start3A_708] : memref<128x200xi32, #tpu.memory_space<vmem>> -> memref<1x128xi32, #tpu.memory_space<vmem>>
      %dma_start3A_710 = tpu.memref_squeeze %dma_start3A_709 : memref<1x128xi32, #tpu.memory_space<vmem>> -> memref<128xi32, #tpu.memory_space<vmem>>
      %dma_start3A_711 = arith.constant 0 : i32
      %dma_start3A_712 = arith.constant 0 : i32
      %dma_start3A_713 = tpu.memref_slice %arg3[%dma_start3A_711, %dma_start3A_712] : memref<1000000x64xf32, #tpu.memory_space<hbm>> -> memref<1000000x64xf32, #tpu.memory_space<hbm>>
      tpu.enqueue_indirect_dma source(%dma_start3A_713 : memref<1000000x64xf32, #tpu.memory_space<hbm>>) target(%dma_start3A_707 : memref<128x64xf32, #tpu.memory_space<vmem>>) offsets(%dma_start3A_710 : memref<128xi32, #tpu.memory_space<vmem>>) semaphore(%arg8 : memref<!tpu.dma_semaphore, #tpu.memory_space<semaphore_mem>>)
      %mul3A_714 = arith.constant 4 : i32
      %mul3A_715 = arith.muli %add3A_657, %mul3A_714 : i32
      %add3A_716 = arith.constant 1 : i32
      %add3A_717 = arith.addi %mul3A_715, %add3A_716 : i32
      %dma_start3A_718 = arith.constant 1 : i32
      %dma_start3A_719 = arith.constant 128 : i32
      %dma_start3A_720 = arith.constant 0 : i32
      %dma_start3A_721 = tpu.memref_slice %arg7[%dma_start3A_718, %dma_start3A_719, %dma_start3A_720] : memref<4x200x64xf32, #tpu.memory_space<vmem>> -> memref<1x72x64xf32, #tpu.memory_space<vmem>>
      %dma_start3A_722 = tpu.memref_squeeze %dma_start3A_721 : memref<1x72x64xf32, #tpu.memory_space<vmem>> -> memref<72x64xf32, #tpu.memory_space<vmem>>
      %dma_start3A_723 = arith.constant 128 : i32
      %dma_start3A_724 = tpu.memref_slice %arg5[%add3A_717, %dma_start3A_723] : memref<128x200xi32, #tpu.memory_space<vmem>> -> memref<1x72xi32, #tpu.memory_space<vmem>>
      %dma_start3A_725 = tpu.memref_squeeze %dma_start3A_724 : memref<1x72xi32, #tpu.memory_space<vmem>> -> memref<72xi32, #tpu.memory_space<vmem>>
      %dma_start3A_726 = arith.constant 0 : i32
      %dma_start3A_727 = arith.constant 0 : i32
      %dma_start3A_728 = tpu.memref_slice %arg3[%dma_start3A_726, %dma_start3A_727] : memref<1000000x64xf32, #tpu.memory_space<hbm>> -> memref<1000000x64xf32, #tpu.memory_space<hbm>>
      tpu.enqueue_indirect_dma source(%dma_start3A_728 : memref<1000000x64xf32, #tpu.memory_space<hbm>>) target(%dma_start3A_722 : memref<72x64xf32, #tpu.memory_space<vmem>>) offsets(%dma_start3A_725 : memref<72xi32, #tpu.memory_space<vmem>>) semaphore(%arg8 : memref<!tpu.dma_semaphore, #tpu.memory_space<semaphore_mem>>)
      %mul3A_729 = arith.constant 4 : i32
      %mul3A_730 = arith.muli %add3A_657, %mul3A_729 : i32
      %add3A_731 = arith.constant 2 : i32
      %add3A_732 = arith.addi %mul3A_730, %add3A_731 : i32
      %dma_start3A_733 = arith.constant 2 : i32
      %dma_start3A_734 = arith.constant 0 : i32
      %dma_start3A_735 = arith.constant 0 : i32
      %dma_start3A_736 = tpu.memref_slice %arg7[%dma_start3A_733, %dma_start3A_734, %dma_start3A_735] : memref<4x200x64xf32, #tpu.memory_space<vmem>> -> memref<1x128x64xf32, #tpu.memory_space<vmem>>
      %dma_start3A_737 = tpu.memref_squeeze %dma_start3A_736 : memref<1x128x64xf32, #tpu.memory_space<vmem>> -> memref<128x64xf32, #tpu.memory_space<vmem>>
      %dma_start3A_738 = arith.constant 0 : i32
      %dma_start3A_739 = tpu.memref_slice %arg5[%add3A_732, %dma_start3A_738] : memref<128x200xi32, #tpu.memory_space<vmem>> -> memref<1x128xi32, #tpu.memory_space<vmem>>
      %dma_start3A_740 = tpu.memref_squeeze %dma_start3A_739 : memref<1x128xi32, #tpu.memory_space<vmem>> -> memref<128xi32, #tpu.memory_space<vmem>>
      %dma_start3A_741 = arith.constant 0 : i32
      %dma_start3A_742 = arith.constant 0 : i32
      %dma_start3A_743 = tpu.memref_slice %arg3[%dma_start3A_741, %dma_start3A_742] : memref<1000000x64xf32, #tpu.memory_space<hbm>> -> memref<1000000x64xf32, #tpu.memory_space<hbm>>
      tpu.enqueue_indirect_dma source(%dma_start3A_743 : memref<1000000x64xf32, #tpu.memory_space<hbm>>) target(%dma_start3A_737 : memref<128x64xf32, #tpu.memory_space<vmem>>) offsets(%dma_start3A_740 : memref<128xi32, #tpu.memory_space<vmem>>) semaphore(%arg8 : memref<!tpu.dma_semaphore, #tpu.memory_space<semaphore_mem>>)
      %mul3A_744 = arith.constant 4 : i32
      %mul3A_745 = arith.muli %add3A_657, %mul3A_744 : i32
      %add3A_746 = arith.constant 2 : i32
      %add3A_747 = arith.addi %mul3A_745, %add3A_746 : i32
      %dma_start3A_748 = arith.constant 2 : i32
      %dma_start3A_749 = arith.constant 128 : i32
      %dma_start3A_750 = arith.constant 0 : i32
      %dma_start3A_751 = tpu.memref_slice %arg7[%dma_start3A_748, %dma_start3A_749, %dma_start3A_750] : memref<4x200x64xf32, #tpu.memory_space<vmem>> -> memref<1x72x64xf32, #tpu.memory_space<vmem>>
      %dma_start3A_752 = tpu.memref_squeeze %dma_start3A_751 : memref<1x72x64xf32, #tpu.memory_space<vmem>> -> memref<72x64xf32, #tpu.memory_space<vmem>>
      %dma_start3A_753 = arith.constant 128 : i32
      %dma_start3A_754 = tpu.memref_slice %arg5[%add3A_747, %dma_start3A_753] : memref<128x200xi32, #tpu.memory_space<vmem>> -> memref<1x72xi32, #tpu.memory_space<vmem>>
      %dma_start3A_755 = tpu.memref_squeeze %dma_start3A_754 : memref<1x72xi32, #tpu.memory_space<vmem>> -> memref<72xi32, #tpu.memory_space<vmem>>
      %dma_start3A_756 = arith.constant 0 : i32
      %dma_start3A_757 = arith.constant 0 : i32
      %dma_start3A_758 = tpu.memref_slice %arg3[%dma_start3A_756, %dma_start3A_757] : memref<1000000x64xf32, #tpu.memory_space<hbm>> -> memref<1000000x64xf32, #tpu.memory_space<hbm>>
      tpu.enqueue_indirect_dma source(%dma_start3A_758 : memref<1000000x64xf32, #tpu.memory_space<hbm>>) target(%dma_start3A_752 : memref<72x64xf32, #tpu.memory_space<vmem>>) offsets(%dma_start3A_755 : memref<72xi32, #tpu.memory_space<vmem>>) semaphore(%arg8 : memref<!tpu.dma_semaphore, #tpu.memory_space<semaphore_mem>>)
      %mul3A_759 = arith.constant 4 : i32
      %mul3A_760 = arith.muli %add3A_657, %mul3A_759 : i32
      %add3A_761 = arith.constant 3 : i32
      %add3A_762 = arith.addi %mul3A_760, %add3A_761 : i32
      %dma_start3A_763 = arith.constant 3 : i32
      %dma_start3A_764 = arith.constant 0 : i32
      %dma_start3A_765 = arith.constant 0 : i32
      %dma_start3A_766 = tpu.memref_slice %arg7[%dma_start3A_763, %dma_start3A_764, %dma_start3A_765] : memref<4x200x64xf32, #tpu.memory_space<vmem>> -> memref<1x128x64xf32, #tpu.memory_space<vmem>>
      %dma_start3A_767 = tpu.memref_squeeze %dma_start3A_766 : memref<1x128x64xf32, #tpu.memory_space<vmem>> -> memref<128x64xf32, #tpu.memory_space<vmem>>
      %dma_start3A_768 = arith.constant 0 : i32
      %dma_start3A_769 = tpu.memref_slice %arg5[%add3A_762, %dma_start3A_768] : memref<128x200xi32, #tpu.memory_space<vmem>> -> memref<1x128xi32, #tpu.memory_space<vmem>>
      %dma_start3A_770 = tpu.memref_squeeze %dma_start3A_769 : memref<1x128xi32, #tpu.memory_space<vmem>> -> memref<128xi32, #tpu.memory_space<vmem>>
      %dma_start3A_771 = arith.constant 0 : i32
      %dma_start3A_772 = arith.constant 0 : i32
      %dma_start3A_773 = tpu.memref_slice %arg3[%dma_start3A_771, %dma_start3A_772] : memref<1000000x64xf32, #tpu.memory_space<hbm>> -> memref<1000000x64xf32, #tpu.memory_space<hbm>>
      tpu.enqueue_indirect_dma source(%dma_start3A_773 : memref<1000000x64xf32, #tpu.memory_space<hbm>>) target(%dma_start3A_767 : memref<128x64xf32, #tpu.memory_space<vmem>>) offsets(%dma_start3A_770 : memref<128xi32, #tpu.memory_space<vmem>>) semaphore(%arg8 : memref<!tpu.dma_semaphore, #tpu.memory_space<semaphore_mem>>)
      %mul3A_774 = arith.constant 4 : i32
      %mul3A_775 = arith.muli %add3A_657, %mul3A_774 : i32
      %add3A_776 = arith.constant 3 : i32
      %add3A_777 = arith.addi %mul3A_775, %add3A_776 : i32
      %dma_start3A_778 = arith.constant 3 : i32
      %dma_start3A_779 = arith.constant 128 : i32
      %dma_start3A_780 = arith.constant 0 : i32
      %dma_start3A_781 = tpu.memref_slice %arg7[%dma_start3A_778, %dma_start3A_779, %dma_start3A_780] : memref<4x200x64xf32, #tpu.memory_space<vmem>> -> memref<1x72x64xf32, #tpu.memory_space<vmem>>
      %dma_start3A_782 = tpu.memref_squeeze %dma_start3A_781 : memref<1x72x64xf32, #tpu.memory_space<vmem>> -> memref<72x64xf32, #tpu.memory_space<vmem>>
      %dma_start3A_783 = arith.constant 128 : i32
      %dma_start3A_784 = tpu.memref_slice %arg5[%add3A_777, %dma_start3A_783] : memref<128x200xi32, #tpu.memory_space<vmem>> -> memref<1x72xi32, #tpu.memory_space<vmem>>
      %dma_start3A_785 = tpu.memref_squeeze %dma_start3A_784 : memref<1x72xi32, #tpu.memory_space<vmem>> -> memref<72xi32, #tpu.memory_space<vmem>>
      %dma_start3A_786 = arith.constant 0 : i32
      %dma_start3A_787 = arith.constant 0 : i32
      %dma_start3A_788 = tpu.memref_slice %arg3[%dma_start3A_786, %dma_start3A_787] : memref<1000000x64xf32, #tpu.memory_space<hbm>> -> memref<1000000x64xf32, #tpu.memory_space<hbm>>
      tpu.enqueue_indirect_dma source(%dma_start3A_788 : memref<1000000x64xf32, #tpu.memory_space<hbm>>) target(%dma_start3A_782 : memref<72x64xf32, #tpu.memory_space<vmem>>) offsets(%dma_start3A_785 : memref<72xi32, #tpu.memory_space<vmem>>) semaphore(%arg8 : memref<!tpu.dma_semaphore, #tpu.memory_space<semaphore_mem>>)
      %dma_wait3A_789 = arith.constant 0 : i32
      %dma_wait3A_790 = arith.constant 0 : i32
      %dma_wait3A_791 = arith.constant 0 : i32
      %dma_wait3A_792 = tpu.memref_slice %arg7[%dma_wait3A_789, %dma_wait3A_790, %dma_wait3A_791] : memref<4x200x64xf32, #tpu.memory_space<vmem>> -> memref<1x128x64xf32, #tpu.memory_space<vmem>>
      %dma_wait3A_793 = tpu.memref_squeeze %dma_wait3A_792 : memref<1x128x64xf32, #tpu.memory_space<vmem>> -> memref<128x64xf32, #tpu.memory_space<vmem>>
      %dma_wait3A_794 = arith.constant 0 : i32
      %dma_wait3A_795 = tpu.memref_slice %arg5[%add3A_672, %dma_wait3A_794] : memref<128x200xi32, #tpu.memory_space<vmem>> -> memref<1x128xi32, #tpu.memory_space<vmem>>
      %dma_wait3A_796 = tpu.memref_squeeze %dma_wait3A_795 : memref<1x128xi32, #tpu.memory_space<vmem>> -> memref<128xi32, #tpu.memory_space<vmem>>
      %dma_wait3A_797 = arith.constant 0 : i32
      %dma_wait3A_798 = arith.constant 0 : i32
      %dma_wait3A_799 = tpu.memref_slice %arg3[%dma_wait3A_797, %dma_wait3A_798] : memref<1000000x64xf32, #tpu.memory_space<hbm>> -> memref<1000000x64xf32, #tpu.memory_space<hbm>>
      tpu.wait_indirect_dma semaphore(%arg8 : memref<!tpu.dma_semaphore, #tpu.memory_space<semaphore_mem>>) src(%dma_wait3A_799 : memref<1000000x64xf32, #tpu.memory_space<hbm>>) dst(%dma_wait3A_793 : memref<128x64xf32, #tpu.memory_space<vmem>>)
      %dma_wait3A_800 = arith.constant 0 : i32
      %dma_wait3A_801 = arith.constant 128 : i32
      %dma_wait3A_802 = arith.constant 0 : i32
      %dma_wait3A_803 = tpu.memref_slice %arg7[%dma_wait3A_800, %dma_wait3A_801, %dma_wait3A_802] : memref<4x200x64xf32, #tpu.memory_space<vmem>> -> memref<1x72x64xf32, #tpu.memory_space<vmem>>
      %dma_wait3A_804 = tpu.memref_squeeze %dma_wait3A_803 : memref<1x72x64xf32, #tpu.memory_space<vmem>> -> memref<72x64xf32, #tpu.memory_space<vmem>>
      %dma_wait3A_805 = arith.constant 128 : i32
      %dma_wait3A_806 = tpu.memref_slice %arg5[%add3A_687, %dma_wait3A_805] : memref<128x200xi32, #tpu.memory_space<vmem>> -> memref<1x72xi32, #tpu.memory_space<vmem>>
      %dma_wait3A_807 = tpu.memref_squeeze %dma_wait3A_806 : memref<1x72xi32, #tpu.memory_space<vmem>> -> memref<72xi32, #tpu.memory_space<vmem>>
      %dma_wait3A_808 = arith.constant 0 : i32
      %dma_wait3A_809 = arith.constant 0 : i32
      %dma_wait3A_810 = tpu.memref_slice %arg3[%dma_wait3A_808, %dma_wait3A_809] : memref<1000000x64xf32, #tpu.memory_space<hbm>> -> memref<1000000x64xf32, #tpu.memory_space<hbm>>
      tpu.wait_indirect_dma semaphore(%arg8 : memref<!tpu.dma_semaphore, #tpu.memory_space<semaphore_mem>>) src(%dma_wait3A_810 : memref<1000000x64xf32, #tpu.memory_space<hbm>>) dst(%dma_wait3A_804 : memref<72x64xf32, #tpu.memory_space<vmem>>)
      %dma_wait3A_811 = arith.constant 1 : i32
      %dma_wait3A_812 = arith.constant 0 : i32
      %dma_wait3A_813 = arith.constant 0 : i32
      %dma_wait3A_814 = tpu.memref_slice %arg7[%dma_wait3A_811, %dma_wait3A_812, %dma_wait3A_813] : memref<4x200x64xf32, #tpu.memory_space<vmem>> -> memref<1x128x64xf32, #tpu.memory_space<vmem>>
      %dma_wait3A_815 = tpu.memref_squeeze %dma_wait3A_814 : memref<1x128x64xf32, #tpu.memory_space<vmem>> -> memref<128x64xf32, #tpu.memory_space<vmem>>
      %dma_wait3A_816 = arith.constant 0 : i32
      %dma_wait3A_817 = tpu.memref_slice %arg5[%add3A_702, %dma_wait3A_816] : memref<128x200xi32, #tpu.memory_space<vmem>> -> memref<1x128xi32, #tpu.memory_space<vmem>>
      %dma_wait3A_818 = tpu.memref_squeeze %dma_wait3A_817 : memref<1x128xi32, #tpu.memory_space<vmem>> -> memref<128xi32, #tpu.memory_space<vmem>>
      %dma_wait3A_819 = arith.constant 0 : i32
      %dma_wait3A_820 = arith.constant 0 : i32
      %dma_wait3A_821 = tpu.memref_slice %arg3[%dma_wait3A_819, %dma_wait3A_820] : memref<1000000x64xf32, #tpu.memory_space<hbm>> -> memref<1000000x64xf32, #tpu.memory_space<hbm>>
      tpu.wait_indirect_dma semaphore(%arg8 : memref<!tpu.dma_semaphore, #tpu.memory_space<semaphore_mem>>) src(%dma_wait3A_821 : memref<1000000x64xf32, #tpu.memory_space<hbm>>) dst(%dma_wait3A_815 : memref<128x64xf32, #tpu.memory_space<vmem>>)
      %dma_wait3A_822 = arith.constant 1 : i32
      %dma_wait3A_823 = arith.constant 128 : i32
      %dma_wait3A_824 = arith.constant 0 : i32
      %dma_wait3A_825 = tpu.memref_slice %arg7[%dma_wait3A_822, %dma_wait3A_823, %dma_wait3A_824] : memref<4x200x64xf32, #tpu.memory_space<vmem>> -> memref<1x72x64xf32, #tpu.memory_space<vmem>>
      %dma_wait3A_826 = tpu.memref_squeeze %dma_wait3A_825 : memref<1x72x64xf32, #tpu.memory_space<vmem>> -> memref<72x64xf32, #tpu.memory_space<vmem>>
      %dma_wait3A_827 = arith.constant 128 : i32
      %dma_wait3A_828 = tpu.memref_slice %arg5[%add3A_717, %dma_wait3A_827] : memref<128x200xi32, #tpu.memory_space<vmem>> -> memref<1x72xi32, #tpu.memory_space<vmem>>
      %dma_wait3A_829 = tpu.memref_squeeze %dma_wait3A_828 : memref<1x72xi32, #tpu.memory_space<vmem>> -> memref<72xi32, #tpu.memory_space<vmem>>
      %dma_wait3A_830 = arith.constant 0 : i32
      %dma_wait3A_831 = arith.constant 0 : i32
      %dma_wait3A_832 = tpu.memref_slice %arg3[%dma_wait3A_830, %dma_wait3A_831] : memref<1000000x64xf32, #tpu.memory_space<hbm>> -> memref<1000000x64xf32, #tpu.memory_space<hbm>>
      tpu.wait_indirect_dma semaphore(%arg8 : memref<!tpu.dma_semaphore, #tpu.memory_space<semaphore_mem>>) src(%dma_wait3A_832 : memref<1000000x64xf32, #tpu.memory_space<hbm>>) dst(%dma_wait3A_826 : memref<72x64xf32, #tpu.memory_space<vmem>>)
      %dma_wait3A_833 = arith.constant 2 : i32
      %dma_wait3A_834 = arith.constant 0 : i32
      %dma_wait3A_835 = arith.constant 0 : i32
      %dma_wait3A_836 = tpu.memref_slice %arg7[%dma_wait3A_833, %dma_wait3A_834, %dma_wait3A_835] : memref<4x200x64xf32, #tpu.memory_space<vmem>> -> memref<1x128x64xf32, #tpu.memory_space<vmem>>
      %dma_wait3A_837 = tpu.memref_squeeze %dma_wait3A_836 : memref<1x128x64xf32, #tpu.memory_space<vmem>> -> memref<128x64xf32, #tpu.memory_space<vmem>>
      %dma_wait3A_838 = arith.constant 0 : i32
      %dma_wait3A_839 = tpu.memref_slice %arg5[%add3A_732, %dma_wait3A_838] : memref<128x200xi32, #tpu.memory_space<vmem>> -> memref<1x128xi32, #tpu.memory_space<vmem>>
      %dma_wait3A_840 = tpu.memref_squeeze %dma_wait3A_839 : memref<1x128xi32, #tpu.memory_space<vmem>> -> memref<128xi32, #tpu.memory_space<vmem>>
      %dma_wait3A_841 = arith.constant 0 : i32
      %dma_wait3A_842 = arith.constant 0 : i32
      %dma_wait3A_843 = tpu.memref_slice %arg3[%dma_wait3A_841, %dma_wait3A_842] : memref<1000000x64xf32, #tpu.memory_space<hbm>> -> memref<1000000x64xf32, #tpu.memory_space<hbm>>
      tpu.wait_indirect_dma semaphore(%arg8 : memref<!tpu.dma_semaphore, #tpu.memory_space<semaphore_mem>>) src(%dma_wait3A_843 : memref<1000000x64xf32, #tpu.memory_space<hbm>>) dst(%dma_wait3A_837 : memref<128x64xf32, #tpu.memory_space<vmem>>)
      %dma_wait3A_844 = arith.constant 2 : i32
      %dma_wait3A_845 = arith.constant 128 : i32
      %dma_wait3A_846 = arith.constant 0 : i32
      %dma_wait3A_847 = tpu.memref_slice %arg7[%dma_wait3A_844, %dma_wait3A_845, %dma_wait3A_846] : memref<4x200x64xf32, #tpu.memory_space<vmem>> -> memref<1x72x64xf32, #tpu.memory_space<vmem>>
      %dma_wait3A_848 = tpu.memref_squeeze %dma_wait3A_847 : memref<1x72x64xf32, #tpu.memory_space<vmem>> -> memref<72x64xf32, #tpu.memory_space<vmem>>
      %dma_wait3A_849 = arith.constant 128 : i32
      %dma_wait3A_850 = tpu.memref_slice %arg5[%add3A_747, %dma_wait3A_849] : memref<128x200xi32, #tpu.memory_space<vmem>> -> memref<1x72xi32, #tpu.memory_space<vmem>>
      %dma_wait3A_851 = tpu.memref_squeeze %dma_wait3A_850 : memref<1x72xi32, #tpu.memory_space<vmem>> -> memref<72xi32, #tpu.memory_space<vmem>>
      %dma_wait3A_852 = arith.constant 0 : i32
      %dma_wait3A_853 = arith.constant 0 : i32
      %dma_wait3A_854 = tpu.memref_slice %arg3[%dma_wait3A_852, %dma_wait3A_853] : memref<1000000x64xf32, #tpu.memory_space<hbm>> -> memref<1000000x64xf32, #tpu.memory_space<hbm>>
      tpu.wait_indirect_dma semaphore(%arg8 : memref<!tpu.dma_semaphore, #tpu.memory_space<semaphore_mem>>) src(%dma_wait3A_854 : memref<1000000x64xf32, #tpu.memory_space<hbm>>) dst(%dma_wait3A_848 : memref<72x64xf32, #tpu.memory_space<vmem>>)
      %dma_wait3A_855 = arith.constant 3 : i32
      %dma_wait3A_856 = arith.constant 0 : i32
      %dma_wait3A_857 = arith.constant 0 : i32
      %dma_wait3A_858 = tpu.memref_slice %arg7[%dma_wait3A_855, %dma_wait3A_856, %dma_wait3A_857] : memref<4x200x64xf32, #tpu.memory_space<vmem>> -> memref<1x128x64xf32, #tpu.memory_space<vmem>>
      %dma_wait3A_859 = tpu.memref_squeeze %dma_wait3A_858 : memref<1x128x64xf32, #tpu.memory_space<vmem>> -> memref<128x64xf32, #tpu.memory_space<vmem>>
      %dma_wait3A_860 = arith.constant 0 : i32
      %dma_wait3A_861 = tpu.memref_slice %arg5[%add3A_762, %dma_wait3A_860] : memref<128x200xi32, #tpu.memory_space<vmem>> -> memref<1x128xi32, #tpu.memory_space<vmem>>
      %dma_wait3A_862 = tpu.memref_squeeze %dma_wait3A_861 : memref<1x128xi32, #tpu.memory_space<vmem>> -> memref<128xi32, #tpu.memory_space<vmem>>
      %dma_wait3A_863 = arith.constant 0 : i32
      %dma_wait3A_864 = arith.constant 0 : i32
      %dma_wait3A_865 = tpu.memref_slice %arg3[%dma_wait3A_863, %dma_wait3A_864] : memref<1000000x64xf32, #tpu.memory_space<hbm>> -> memref<1000000x64xf32, #tpu.memory_space<hbm>>
      tpu.wait_indirect_dma semaphore(%arg8 : memref<!tpu.dma_semaphore, #tpu.memory_space<semaphore_mem>>) src(%dma_wait3A_865 : memref<1000000x64xf32, #tpu.memory_space<hbm>>) dst(%dma_wait3A_859 : memref<128x64xf32, #tpu.memory_space<vmem>>)
      %dma_wait3A_866 = arith.constant 3 : i32
      %dma_wait3A_867 = arith.constant 128 : i32
      %dma_wait3A_868 = arith.constant 0 : i32
      %dma_wait3A_869 = tpu.memref_slice %arg7[%dma_wait3A_866, %dma_wait3A_867, %dma_wait3A_868] : memref<4x200x64xf32, #tpu.memory_space<vmem>> -> memref<1x72x64xf32, #tpu.memory_space<vmem>>
      %dma_wait3A_870 = tpu.memref_squeeze %dma_wait3A_869 : memref<1x72x64xf32, #tpu.memory_space<vmem>> -> memref<72x64xf32, #tpu.memory_space<vmem>>
      %dma_wait3A_871 = arith.constant 128 : i32
      %dma_wait3A_872 = tpu.memref_slice %arg5[%add3A_777, %dma_wait3A_871] : memref<128x200xi32, #tpu.memory_space<vmem>> -> memref<1x72xi32, #tpu.memory_space<vmem>>
      %dma_wait3A_873 = tpu.memref_squeeze %dma_wait3A_872 : memref<1x72xi32, #tpu.memory_space<vmem>> -> memref<72xi32, #tpu.memory_space<vmem>>
      %dma_wait3A_874 = arith.constant 0 : i32
      %dma_wait3A_875 = arith.constant 0 : i32
      %dma_wait3A_876 = tpu.memref_slice %arg3[%dma_wait3A_874, %dma_wait3A_875] : memref<1000000x64xf32, #tpu.memory_space<hbm>> -> memref<1000000x64xf32, #tpu.memory_space<hbm>>
      tpu.wait_indirect_dma semaphore(%arg8 : memref<!tpu.dma_semaphore, #tpu.memory_space<semaphore_mem>>) src(%dma_wait3A_876 : memref<1000000x64xf32, #tpu.memory_space<hbm>>) dst(%dma_wait3A_870 : memref<72x64xf32, #tpu.memory_space<vmem>>)
      %mul3A_877 = arith.constant 4 : i32
      %mul3A_878 = arith.muli %add3A_657, %mul3A_877 : i32
      %add3A_879 = arith.addi %mul3A_2, %mul3A_878 : i32
      %dma_start3A_880 = arith.constant 0 : i32
      %dma_start3A_881 = arith.constant 0 : i32
      %dma_start3A_882 = tpu.memref_slice %arg4[%add3A_879, %dma_start3A_880, %dma_start3A_881] : memref<4096x200x128xf32, #tpu.memory_space<hbm>> -> memref<4x200x64xf32, #tpu.memory_space<hbm>>
      %dma_start3A_883 = arith.constant 0 : i32
      %dma_start3A_884 = arith.constant 0 : i32
      %dma_start3A_885 = tpu.memref_slice %arg4[%add3A_879, %dma_start3A_883, %dma_start3A_884] : memref<4096x200x128xf32, #tpu.memory_space<hbm>> -> memref<4x200x64xf32, #tpu.memory_space<hbm>>
      tpu.enqueue_dma source(%arg7 : memref<4x200x64xf32, #tpu.memory_space<vmem>>) target(%dma_start3A_885 : memref<4x200x64xf32, #tpu.memory_space<hbm>>) target_semaphore(%arg10 : memref<!tpu.dma_semaphore, #tpu.memory_space<semaphore_mem>>)
    }
    %scan3A_405 = arith.constant 15 : i32
    %add3A_406 = arith.constant 120 : i32
    %add3A_407 = arith.addi %mul3A_2, %add3A_406 : i32
    %dma_wait3A_408 = arith.constant 0 : i32
    %dma_wait3A_409 = arith.constant 0 : i32
    %dma_wait3A_410 = tpu.memref_slice %arg4[%add3A_407, %dma_wait3A_408, %dma_wait3A_409] : memref<4096x200x128xf32, #tpu.memory_space<hbm>> -> memref<4x200x64xf32, #tpu.memory_space<hbm>>
    %dma_wait3A_411 = arith.constant 0 : i32
    %dma_wait3A_412 = arith.constant 0 : i32
    %dma_wait3A_413 = tpu.memref_slice %arg4[%add3A_407, %dma_wait3A_411, %dma_wait3A_412] : memref<4096x200x128xf32, #tpu.memory_space<hbm>> -> memref<4x200x64xf32, #tpu.memory_space<hbm>>
    tpu.wait_dma2 semaphore(%arg9 : memref<!tpu.dma_semaphore, #tpu.memory_space<semaphore_mem>>) src(%arg6 : memref<4x200x64xf32, #tpu.memory_space<vmem>>) dst(%dma_wait3A_413 : memref<4x200x64xf32, #tpu.memory_space<hbm>>)
    %add3A_414 = arith.constant 124 : i32
    %add3A_415 = arith.addi %mul3A_2, %add3A_414 : i32
    %dma_wait3A_416 = arith.constant 0 : i32
    %dma_wait3A_417 = arith.constant 0 : i32
    %dma_wait3A_418 = tpu.memref_slice %arg4[%add3A_415, %dma_wait3A_416, %dma_wait3A_417] : memref<4096x200x128xf32, #tpu.memory_space<hbm>> -> memref<4x200x64xf32, #tpu.memory_space<hbm>>
    %dma_wait3A_419 = arith.constant 0 : i32
    %dma_wait3A_420 = arith.constant 0 : i32
    %dma_wait3A_421 = tpu.memref_slice %arg4[%add3A_415, %dma_wait3A_419, %dma_wait3A_420] : memref<4096x200x128xf32, #tpu.memory_space<hbm>> -> memref<4x200x64xf32, #tpu.memory_space<hbm>>
    tpu.wait_dma2 semaphore(%arg10 : memref<!tpu.dma_semaphore, #tpu.memory_space<semaphore_mem>>) src(%arg7 : memref<4x200x64xf32, #tpu.memory_space<vmem>>) dst(%dma_wait3A_421 : memref<4x200x64xf32, #tpu.memory_space<hbm>>)
    return
  }
}

</mosaic_0001>

<sc_bundles>
// kernel: kernel.3.cloned.1.call-start
scs
__scs_entry_jumppad:
0x0: {  	(pc) =	sbr.rel $0x88, $3  }
0x1: {  	(tag) =	ssettag $0x0;
	lr =	simm.s32 $0x1  }
0x2: {  	[smem:$0x3F9F] =	sst lr;
	_ =	strace $0xD0000000  }
0x3: {  	_ = 	snop  }
0x4: {  	_ = 	snop  }
0x5: {  	_ = 	snop  }
0x6: {  	_ = 	snop  }
0x7: {  	_ = 	snop  }
__scs_overlays_trampoline_lowered:
0x8: {  	[smem:$0x3FAE] =	sst s0  }
0x9: {  	[smem:$0x3FAF] =	sst s1  }
0xa: {  	[smem:$0x3FB0] =	sst s2  }
0xb: {  	[smem:$0x3FB1] =	sst s3  }
0xc: {  	[smem:$0x3FB2] =	sst s4  }
0xd: {  	[smem:$0x3FB3] =	sst s5  }
0xe: {  	[smem:$0x3FB4] =	sst s6  }
0xf: {  	[smem:$0x3FB5] =	sst s7  }
0x10: {  	[smem:$0x3FB6] =	sst s8  }
0x11: {  	[smem:$0x3FB7] =	sst s9;
	s0 =	simm.s32 @!p0 $0x0  }
0x12: {  	s1 =	sld [smem:$0x3F9D];
	s0 =	simm.s32 @p0 $0x1  }
0x13: {  	[smem:$0x3FB8] =	sst s0;
	s0 =	simm.s32 @!p1 $0x0  }
0x14: {  	s2 =	sld [smem:$0x3F9C];
	s0 =	simm.s32 @p1 $0x1  }
0x15: {  	[smem:$0x3FB9] =	sst s0;
	s0 =	simm.s32 @!p2 $0x0  }
0x16: {  	s3 =	sld [smem:$0x3FDB];
	s0 =	simm.s32 @p2 $0x1  }
0x17: {  	s4 =	simm.s32 $0x1BF5;
	[smem:$0x3FBB] =	sst s0  }
0x18: {  	s0 =	sld [smem:$0x3F9E];
	_ =	swait.ge [sflag:s4], $0x0  }
0x19: {  	s7 =	sld [smem:$0x3F9F]  }
0x1a: {  	s8 =	sadd.s32 $0xFFFFE003, lr  }
0x1b: {  	s9 =	sadd.s32 $0xFFFFFEF7, lr;
	s5 =	simm.s32 $0xFFFFFFFF;
	p2 =	slt.u32 s8, $0xFFFFF086  }
0x1c: {  	p1 =	slt.u32 s9, $0xF7A;
	s5 =	simm.s32 @!p2 $0x0  }
0x1d: {  	s5 =	simm.s32 @p1 $0x1;
	p0 =	seq.s32 s7, s2  }
0x1e: {  	s7 =	smul.u32 @!p0 $0xF7A, s2;
	p2 =	seq.s32 @!p0 s5, $0x0  }
0x1f: {  	s9 =	smul.u32 $0xF7A, s1;
	s8 =	simm.s32 @!p0 $0x1BF5;
	p2 =	por !p2, p0  }
0x20: {  	[sflag:s8] =	ssyncset.s32 @!p0 $0xFFFFF086;
	s6 =	sadd.s32 @!p0 s3, s7;
	s7 =	simm.s32 @!p0 $0x108  }
0x21: {  	s3 =	sadd.s32 s3, s9;
	s6 =	sadd.s32 @!p0 $0x88, s6;
	s7 =	simm.s32 @p2 $0x1082  }
0x22: {  	[simem:s7], [sflag:s8] =	dma.local @!p0 [hbm:s6], $0xF7A  }
0x23: {  	s9 =	sor.u32 $0xD0000000, s2;
	s6 =	simm.s32 $0x108;
	_ =	swait.ge @!p0 [sflag:s8], $0x0  }
0x24: {  	s3 =	sadd.s32 $0x88, s3;
	s6 =	simm.s32 @!p1 $0x1082;
	[sflag:s4] =	ssyncset.s32 $0xFFFFF086  }
0x25: {  	[simem:s6], [sflag:s4] =	dma.local [hbm:s3], $0xF7A  }
0x26: {  	[smem:$0x3F9F] =	sst s1;
	(tag) =	ssettag s2;
	_ =	strace s9  }
0x27: {  	s1 =	sld [smem:$0x3FAF]  }
0x28: {  	s2 =	sld [smem:$0x3FB0]  }
0x29: {  	s4 =	sld [smem:$0x3FB2]  }
0x2a: {  	p0 =	seq.s32 s5, $0x0;
	s5 =	sld [smem:$0x3FB3]  }
0x2b: {  	s6 =	sld [smem:$0x3FB4]  }
0x2c: {  	s7 =	sld [smem:$0x3FB5]  }
0x2d: {  	s3 =	simm.s32 $0x108;
	s8 =	sld [smem:$0x3FB6]  }
0x2e: {  	s3 =	simm.s32 @!p0 $0x1082;
	s9 =	sld [smem:$0x3FB7]  }
0x2f: {  	lr =	sadd.s32 s0, s3;
	s0 =	sld [smem:$0x3FAE]  }
0x30: {  	s3 =	sld [smem:$0x3FB1]  }
0x31: {  	[smem:$0x3FBA] =	sst s10  }
0x32: {  	s10 =	sld [smem:$0x3FB8];
	_ =	sdelay $0x3  }
0x33: {  	p0 =	seq.s32 s10, $0x1;
	s10 =	sld [smem:$0x3FBA];
	_ =	sdelay $0x3  }
0x34: {  	[smem:$0x3FBA] =	sst s10  }
0x35: {  	s10 =	sld [smem:$0x3FB9];
	_ =	sdelay $0x3  }
0x36: {  	p1 =	seq.s32 s10, $0x1;
	s10 =	sld [smem:$0x3FBA];
	_ =	sdelay $0x3  }
0x37: {  	[smem:$0x3FBA] =	sst s10  }
0x38: {  	s10 =	sld [smem:$0x3FBB]  }
0x39: {  	_ = 	snop;
	(pc) =	sbr.ind lr, $3  }
0x3a: {  	_ = 	snop  }
0x3b: {  	_ = 	snop  }
0x3c: {  	p2 =	seq.s32 s10, $0x1;
	s10 =	sld [smem:$0x3FBA]  }
0x3d: {  	_ =	shalt  }
0x3e: {  	_ =	shalt  }
0x3f: {  	_ =	shalt  }
0x40: {  	_ =	shalt  }
0x41: {  	_ =	shalt  }
0x42: {  	_ =	shalt  }
0x43: {  	_ =	shalt  }
0x44: {  	_ =	shalt  }
0x45: {  	_ =	shalt  }
0x46: {  	_ =	shalt  }
0x47: {  	_ =	shalt  }
0x48: {  	_ =	shalt  }
0x49: {  	_ =	shalt  }
0x4a: {  	_ =	shalt  }
0x4b: {  	_ =	shalt  }
0x4c: {  	_ =	shalt  }
0x4d: {  	_ =	shalt  }
0x4e: {  	_ =	shalt  }
0x4f: {  	_ =	shalt  }
0x50: {  	_ =	shalt  }
0x51: {  	_ =	shalt  }
0x52: {  	_ =	shalt  }
0x53: {  	_ =	shalt  }
0x54: {  	_ =	shalt  }
0x55: {  	_ =	shalt  }
0x56: {  	_ =	shalt  }
0x57: {  	_ =	shalt  }
0x58: {  	_ =	shalt  }
0x59: {  	_ =	shalt  }
0x5a: {  	_ =	shalt  }
0x5b: {  	_ =	shalt  }
0x5c: {  	_ =	shalt  }
0x5d: {  	_ =	shalt  }
0x5e: {  	_ =	shalt  }
0x5f: {  	_ =	shalt  }
0x60: {  	_ =	shalt  }
0x61: {  	_ =	shalt  }
0x62: {  	_ =	shalt  }
0x63: {  	_ =	shalt  }
0x64: {  	_ =	shalt  }
0x65: {  	_ =	shalt  }
0x66: {  	_ =	shalt  }
0x67: {  	_ =	shalt  }
0x68: {  	_ =	shalt  }
0x69: {  	_ =	shalt  }
0x6a: {  	_ =	shalt  }
0x6b: {  	_ =	shalt  }
0x6c: {  	_ =	shalt  }
0x6d: {  	_ =	shalt  }
0x6e: {  	_ =	shalt  }
0x6f: {  	_ =	shalt  }
0x70: {  	_ =	shalt  }
0x71: {  	_ =	shalt  }
0x72: {  	_ =	shalt  }
0x73: {  	_ =	shalt  }
0x74: {  	_ =	shalt  }
0x75: {  	_ =	shalt  }
0x76: {  	_ =	shalt  }
0x77: {  	_ =	shalt  }
0x78: {  	_ =	shalt  }
0x79: {  	_ =	shalt  }
0x7a: {  	_ =	shalt  }
0x7b: {  	_ =	shalt  }
0x7c: {  	_ =	shalt  }
0x7d: {  	_ =	shalt  }
0x7e: {  	_ =	shalt  }
0x7f: {  	_ =	shalt  }
0x80: {  	_ =	shalt  }
0x81: {  	_ =	shalt  }
0x82: {  	_ =	shalt  }
0x83: {  	_ =	shalt  }
0x84: {  	_ =	shalt  }
0x85: {  	_ =	shalt  }
0x86: {  	_ =	shalt  }
0x87: {  	_ =	shalt  }
.Lfunc_end0:
.L_simem_size_0:
called_computation.1_lowered:
.L_overlay_start_0:
0x88: {  	s2 =	sld [smem:$0x3FD9]  }
0x89: {  	s3 =	sld [smem:$0x3FFE];
	_ =	sdelay $0x1  }
0x8a: {  	s1 =	srdreg.scid  }
0x8b: {  	s0 =	sand.u32 $0x1, s1  }
0x8c: {  	s17 =	sshll.u32 s0, $0xA;
	s2 =	sadd.s32 s3, s2  }
0x8d: {  	s2 =	sadd.s32 s2, s17  }
0x8e: {  	[smem:$0x3FC6] =	sst s2  }
0x8f: {  	_ = 	snop  }
0x90: {  	s2 =	sld [smem:$0x3FD0];
	(tm) =	ssettm $0x1  }
0x91: {  	s18 =	sld [smem:$0x3FFB];
	_ =	sdelay $0x3  }
0x92: {  	_ =	strace s18  }
0x93: {  	s3 =	sld [smem:$0x3FFC];
	_ =	sdelay $0x3  }
0x94: {  	_ =	strace s3  }
0x95: {  	s3 =	sld [smem:$0x3FFD];
	_ =	sdelay $0x3  }
0x96: {  	_ =	strace s3  }
0x97: {  	_ =	strace $0x8FFFFFFF  }
0x98: {  	s19 =	sld [smem:$0x3FDB];
	_ =	sdelay $0x1  }
0x99: {  	s4 =	simm.s32 $_scs_section_size  }
0x9a: {  	s5 =	simm.s32 $_size__tile_overlayer_lowered;
	s6 =	simm.s32 $_tile_overlayer_lowered  }
0x9b: {  	s22 =	simm.s32 $0x1BFF;
	s21 =	sshll.u32 s6, $0x1;
	s3 =	sadd.s32 s4, s19  }
0x9c: {  	s7 =	simm.s32 $0x0;
	s20 =	sshll.u32 s5, $0x1;
	s5 =	sadd.s32 s21, s3  }
0x9d: {  	[timem:s7], [sflag:s22] =	dma.local [hbm:s5], s20  }
0x9e: {  	_ =	swait.ge [sflag:s22], s20  }
0x9f: {  	s4 =	ssub.s32 $0x0, s20;
	[sflag:s22] =	ssyncset.done $0x0  }
0xa0: {  	[sflag:s22] =	ssyncadd.s32 s4;
	_ =	sdelay $0x1  }
0xa1: {  	s23 =	simm.s32 $0x1B8B  }
0xa2: {  	_ =	swait.ge [sflag:s23], $0x1  }
0xa3: {  	[sflag:s23] =	ssyncset.done $0x0  }
0xa4: {  	s25 =	simm.s32 $0x1B8E;
	s24 =	sld [smem:$0x3FFE];
	[sflag:s23] =	ssyncadd.s32 $0xFFFFFFFF  }
0xa5: {  	s26 =	simm.s32 $execute0_lowered;
	[smem:$0x3FD2] =	sst s25  }
0xa6: {  	s5 =	sshll.u32 s26, $0x1;
	_ =	strace $0x80000046;
	[dreg:$0x1] =	wrdreg $0xFFFFFFFF  }
0xa7: {  	s28 =	simm.s32 $_size_execute0_lowered;
	s3 =	sadd.s32 s3, s5;
	[dreg:$0x0] =	wrdreg $0x0  }
0xa8: {  	s5 =	sshll.u32 s28, $0x1;
	[dreg:$0x2] =	wrdreg s3  }
0xa9: {  	[dreg:$0x3] =	wrdreg s5  }
0xaa: {  	[dreg:$0x4] =	wrdreg $0xC0  }
0xab: {  	_ =	task [dreg:s7], $0x5FFFF  }
0xac: {  	[dreg:$0x1] =	wrdreg $0xFFFFFFFF  }
0xad: {  	[dreg:$0x0] =	wrdreg $0x60  }
0xae: {  	[dreg:$0x2] =	wrdreg s2  }
0xaf: {  	[dreg:$0x3] =	wrdreg s24  }
0xb0: {  	[dreg:$0x4] =	wrdreg $0x9  }
0xb1: {  	_ =	task.clear_ibuf [dreg:s7], $0x5FFFF;
	_ =	strace $0x90000046  }
0xb2: {  	s29 =	simm.s32 $0x9;
	_ =	strace $0x80000048  }
0xb3: {  	_ =	swait.ge [sflag:s29], $0x1  }
0xb4: {  	[sflag:s29] =	ssyncadd.s32 $0xFFFFFFFF  }
0xb5: {  	_ =	strace $0x90000048  }
0xb6: {  	_ =	sfence  }
0xb7: {  	s30 =	sld [smem:$0x0];
	_ =	sdelay $0x2  }
0xb8: {  	s31 =	sshll.u32 s1, $0xD;
	s1 =	sshrl.u32 s1, $0x2  }
0xb9: {  	s3 =	sand.u32 $0x4000, s31;
	s1 =	sadd.s32 s1, s30  }
0xba: {  	s0 =	sor.u32 s3, s0;
	s1 =	sshll.u32 s1, $0x11  }
0xbb: {  	s0 =	sor.u32 s1, s0  }
0xbc: {  	s0 =	sadd.s32 $0x8F2B, s0  }
0xbd: {  	[sflag:s0] =	ssyncadd.remote.s32 $0x1  }
0xbe: {  	_ =	sfence.sel $0xFFFF  }
0xbf: {  	[dreg:$0x0] =	wrdreg $0xFFFFFFFF;
	(pc) =	sbr.abs _section_cstart, $3  }
0xc0: {  	[dreg:$0x1] =	wrdreg $0xFFFFFFFF  }
0xc1: {  	_ =	task.clear_ibuf [dreg:s7], $0x2FFFF;
	_ =	strace $0x9FFFFFFF  }
0xc2: {  	(tm) =	ssettm $0x7FFFFFFF  }
0xc3: {  	_ =	shalt  }
tec
execute0_lowered:
.L_overlay_start_1:
0x0: {  	(tag) =	ssettag $0x1  }
0x1: {  	s0 =	srdreg.scid  }
0x2: {  	s1 =	rddreg [dreg:$0x0];
	s8 =	stileid.u32  }
0x3: {  	s2 =	rddreg [dreg:$0x1];
	s5 =	simm.s32 $0x0;
	s9 =	simm.s32 $0x4  }
0x4: {  	s10 =	simm.s32 $0x80;
	s11 =	simm.s32 $0x6400;
	s12 =	simm.s32 $0x48  }
0x5: {  	s13 =	simm.s32 $0x8400;
	s15 =	simm.s32 $0x9600;
	s17 =	simm.s32 $0xB600  }
0x6: {  	s19 =	simm.s32 $0xC800;
	s21 =	simm.s32 $0xE800;
	s28 =	simm.s32 $0x40  }
0x7: {  	s30 =	simm.s32 $0x12C00;
	s14 =	simm.s32 $0x15E00;
	s18 =	simm.s32 $0x17E00  }
0x8: {  	s22 =	simm.s32 $0x19000;
	s29 =	simm.s32 $0x1B000;
	s20 =	simm.s32 $0x1E200  }
0x9: {  	s31 =	simm.s32 $0x3;
	s0 =	sand.u32 $0x1, s0;
	s3 =	sshll.u32 s8, $0x8  }
0xa: {  	[smem:$0x7FF] =	sst s5;
	s8 =	smul.u32 $0xC8000, s8;
	s4 =	sshll.u32 s0, $0x7  }
0xb: {  	s23 =	ssub.s32 $0x2, s0;
	s0 =	smul.u32 $0x64000, s0;
	s3 =	sor.u32 s4, s3  }
0xc: {  	s16 =	simm.s32 $0x0;
	_ =	strace $0x80000047;
	s4 =	smul.u32 $0x19, s3  }
0xd: {  	s7 =	sshrl.u32 s23, $0x1;
	s6 =	smul.u32 $0xC80, s3;
	s3 =	sadd.s32 $0xF42E00, s2  }
0xe: {  	s2 =	sadd.s32 $0xA00, s2;
	s7 =	ssub.s32 s23, s7;
	s23 =	simm.s32 $0xFA00  }
0xf: {  	s24 =	sadd.s32 s8, s2;
	s26 =	smax.u32 s7, $0x1;
	s1 =	sadd.s32 s1, s4  }
0x10: {  	s5 =	sadd.s32 s2, s6;
	[dreg:$0x5] =	wrdreg s26;
	s0 =	sadd.s32 s0, s24  }
0x11: {  	s26 =	simm.s32 $0x1;
	s24 =	simm.s32 $0x2;
	[dreg:$0x3] =	wrdreg s1  }
0x12: {  	s25 =	sadd.s32 $0x3200, s5;
	s8 =	sadd.s32 $0x6400, s0;
	s1 =	simm.s32 $0x14C00  }
0x13: {  	s0 =	simm.s32 $0x1C200;
	[dreg:$0x4] =	wrdreg s25;
	s25 =	simm.s32 $0x11A00  }
.LBB2_1:
0x14: {  	s2 =	simm.s32 $0x0;
	s4 =	rddreg [dreg:$0x3]  }
0x15: {  	[tilespmem:s2], [sflag:$0x4] =	stream.linear.gather [hbm4b:s4+s2], $0x6400, $0x38;
	[tilespmem:$0x1F400] =	vst v63  }
0x16: {  	_ =	swait.ge [sflag:s9], $0x6400  }
0x17: {  	[sflag:s9] =	ssyncset.done $0x0  }
0x18: {  	[sflag:s9] =	ssyncadd.s32 $0xFFFF9C00  }
0x19: {  	[tilespmem:s11], [sflag:$0x1] =	stream.indirect.gather [hbm4b:s3+s10], $0x40, s2, s10, $0xb8;
	[tilespmem:$0x1F400] =	vst v63  }
0x1a: {  	_ = 	snop  }
0x1b: {  	[tilespmem:s13], [sflag:$0x1] =	stream.indirect.gather [hbm4b:s3+s12], $0x40, s10, s12, $0xb8;
	[tilespmem:$0x1F400] =	vst v63  }
0x1c: {  	s7 =	simm.s32 $0xC8  }
0x1d: {  	[tilespmem:s15], [sflag:$0x1] =	stream.indirect.gather [hbm4b:s3+s10], $0x40, s7, s10, $0xb8;
	[tilespmem:$0x1F400] =	vst v63  }
0x1e: {  	s4 =	simm.s32 $0x148  }
0x1f: {  	[tilespmem:s17], [sflag:$0x1] =	stream.indirect.gather [hbm4b:s3+s12], $0x40, s4, s12, $0xb8;
	[tilespmem:$0x1F400] =	vst v63  }
0x20: {  	s6 =	simm.s32 $0x190  }
0x21: {  	[tilespmem:s19], [sflag:$0x1] =	stream.indirect.gather [hbm4b:s3+s10], $0x40, s6, s10, $0xb8;
	[tilespmem:$0x1F400] =	vst v63  }
0x22: {  	s7 =	simm.s32 $0x210  }
0x23: {  	[tilespmem:s21], [sflag:$0x1] =	stream.indirect.gather [hbm4b:s3+s12], $0x40, s7, s12, $0xb8;
	[tilespmem:$0x1F400] =	vst v63  }
0x24: {  	s4 =	simm.s32 $0x258  }
0x25: {  	[tilespmem:s23], [sflag:$0x1] =	stream.indirect.gather [hbm4b:s3+s10], $0x40, s4, s10, $0xb8;
	[tilespmem:$0x1F400] =	vst v63  }
0x26: {  	s6 =	simm.s32 $0x2D8  }
0x27: {  	[tilespmem:s25], [sflag:$0x1] =	stream.indirect.gather [hbm4b:s3+s12], $0x40, s6, s12, $0xb8;
	[tilespmem:$0x1F400] =	vst v63  }
0x28: {  	_ =	swait.ge [sflag:s26], $0x2000  }
0x29: {  	[sflag:s26] =	ssyncset.done $0x0  }
0x2a: {  	[sflag:s26] =	ssyncadd.s32 $0xFFFFE000  }
0x2b: {  	_ =	swait.ge [sflag:s26], $0x1200  }
0x2c: {  	[sflag:s26] =	ssyncset.done $0x0  }
0x2d: {  	[sflag:s26] =	ssyncadd.s32 $0xFFFFEE00  }
0x2e: {  	_ =	swait.ge [sflag:s26], $0x2000  }
0x2f: {  	[sflag:s26] =	ssyncset.done $0x0  }
0x30: {  	[sflag:s26] =	ssyncadd.s32 $0xFFFFE000  }
0x31: {  	_ =	swait.ge [sflag:s26], $0x1200  }
0x32: {  	[sflag:s26] =	ssyncset.done $0x0  }
0x33: {  	[sflag:s26] =	ssyncadd.s32 $0xFFFFEE00  }
0x34: {  	_ =	swait.ge [sflag:s26], $0x2000  }
0x35: {  	[sflag:s26] =	ssyncset.done $0x0  }
0x36: {  	[sflag:s26] =	ssyncadd.s32 $0xFFFFE000  }
0x37: {  	_ =	swait.ge [sflag:s26], $0x1200  }
0x38: {  	[sflag:s26] =	ssyncset.done $0x0  }
0x39: {  	[sflag:s26] =	ssyncadd.s32 $0xFFFFEE00  }
0x3a: {  	_ =	swait.ge [sflag:s26], $0x2000  }
0x3b: {  	[sflag:s26] =	ssyncset.done $0x0  }
0x3c: {  	[sflag:s26] =	ssyncadd.s32 $0xFFFFE000  }
0x3d: {  	_ =	swait.ge [sflag:s26], $0x1200  }
0x3e: {  	[sflag:s26] =	ssyncset.done $0x0  }
0x3f: {  	[sflag:s26] =	ssyncadd.s32 $0xFFFFEE00  }
0x40: {  	[hbm4b:s5+s28] =	stream.strided.scatter [tilespmem:s11], [sflag:$0x2], $0xC800, s10, s28, $0x38;
	[tilespmem:$0x1F400] =	vst v63  }
0x41: {  	s7 =	simm.s32 $0x320  }
0x42: {  	[tilespmem:s30], [sflag:$0x1] =	stream.indirect.gather [hbm4b:s3+s10], $0x40, s7, s10, $0xb8;
	[tilespmem:$0x1F400] =	vst v63  }
0x43: {  	s4 =	simm.s32 $0x3A0  }
0x44: {  	[tilespmem:s1], [sflag:$0x1] =	stream.indirect.gather [hbm4b:s3+s12], $0x40, s4, s12, $0xb8;
	[tilespmem:$0x1F400] =	vst v63  }
0x45: {  	s6 =	simm.s32 $0x3E8  }
0x46: {  	[tilespmem:s14], [sflag:$0x1] =	stream.indirect.gather [hbm4b:s3+s10], $0x40, s6, s10, $0xb8;
	[tilespmem:$0x1F400] =	vst v63  }
0x47: {  	s7 =	simm.s32 $0x468  }
0x48: {  	[tilespmem:s18], [sflag:$0x1] =	stream.indirect.gather [hbm4b:s3+s12], $0x40, s7, s12, $0xb8;
	[tilespmem:$0x1F400] =	vst v63  }
0x49: {  	s4 =	simm.s32 $0x4B0  }
0x4a: {  	[tilespmem:s22], [sflag:$0x1] =	stream.indirect.gather [hbm4b:s3+s10], $0x40, s4, s10, $0xb8;
	[tilespmem:$0x1F400] =	vst v63  }
0x4b: {  	s6 =	simm.s32 $0x530  }
0x4c: {  	[tilespmem:s29], [sflag:$0x1] =	stream.indirect.gather [hbm4b:s3+s12], $0x40, s6, s12, $0xb8;
	[tilespmem:$0x1F400] =	vst v63  }
0x4d: {  	s7 =	simm.s32 $0x578  }
0x4e: {  	[tilespmem:s0], [sflag:$0x1] =	stream.indirect.gather [hbm4b:s3+s10], $0x40, s7, s10, $0xb8;
	[tilespmem:$0x1F400] =	vst v63  }
0x4f: {  	s4 =	simm.s32 $0x5F8  }
0x50: {  	[tilespmem:s20], [sflag:$0x1] =	stream.indirect.gather [hbm4b:s3+s12], $0x40, s4, s12, $0xb8;
	[tilespmem:$0x1F400] =	vst v63  }
0x51: {  	_ =	swait.ge [sflag:s26], $0x2000  }
0x52: {  	[sflag:s26] =	ssyncset.done $0x0  }
0x53: {  	[sflag:s26] =	ssyncadd.s32 $0xFFFFE000  }
0x54: {  	_ =	swait.ge [sflag:s26], $0x1200  }
0x55: {  	[sflag:s26] =	ssyncset.done $0x0  }
0x56: {  	[sflag:s26] =	ssyncadd.s32 $0xFFFFEE00  }
0x57: {  	_ =	swait.ge [sflag:s26], $0x2000  }
0x58: {  	[sflag:s26] =	ssyncset.done $0x0  }
0x59: {  	[sflag:s26] =	ssyncadd.s32 $0xFFFFE000  }
0x5a: {  	_ =	swait.ge [sflag:s26], $0x1200  }
0x5b: {  	[sflag:s26] =	ssyncset.done $0x0  }
0x5c: {  	[sflag:s26] =	ssyncadd.s32 $0xFFFFEE00  }
0x5d: {  	_ =	swait.ge [sflag:s26], $0x2000  }
0x5e: {  	[sflag:s26] =	ssyncset.done $0x0  }
0x5f: {  	[sflag:s26] =	ssyncadd.s32 $0xFFFFE000  }
0x60: {  	_ =	swait.ge [sflag:s26], $0x1200  }
0x61: {  	[sflag:s26] =	ssyncset.done $0x0  }
0x62: {  	[sflag:s26] =	ssyncadd.s32 $0xFFFFEE00  }
0x63: {  	_ =	swait.ge [sflag:s26], $0x2000  }
0x64: {  	[sflag:s26] =	ssyncset.done $0x0  }
0x65: {  	[sflag:s26] =	ssyncadd.s32 $0xFFFFE000  }
0x66: {  	_ =	swait.ge [sflag:s26], $0x1200  }
0x67: {  	[sflag:s26] =	ssyncset.done $0x0  }
0x68: {  	s6 =	rddreg [dreg:$0x4];
	[sflag:s26] =	ssyncadd.s32 $0xFFFFEE00  }
0x69: {  	[hbm4b:s6+s28] =	stream.strided.scatter [tilespmem:s30], [sflag:$0x3], $0xC800, s10, s28, $0x38;
	[tilespmem:$0x1F400] =	vst v63  }
0x6a: {  	_ =	swait.ge [sflag:s24], $0xC800  }
0x6b: {  	[sflag:s24] =	ssyncset.done $0x0  }
0x6c: {  	s7 =	simm.s32 $0x640;
	[sflag:s24] =	ssyncadd.s32 $0xFFFF3800  }
0x6d: {  	[tilespmem:s11], [sflag:$0x1] =	stream.indirect.gather [hbm4b:s3+s10], $0x40, s7, s10, $0xb8;
	[tilespmem:$0x1F400] =	vst v63  }
0x6e: {  	s4 =	simm.s32 $0x6C0  }
0x6f: {  	[tilespmem:s13], [sflag:$0x1] =	stream.indirect.gather [hbm4b:s3+s12], $0x40, s4, s12, $0xb8;
	[tilespmem:$0x1F400] =	vst v63  }
0x70: {  	s6 =	simm.s32 $0x708  }
0x71: {  	[tilespmem:s15], [sflag:$0x1] =	stream.indirect.gather [hbm4b:s3+s10], $0x40, s6, s10, $0xb8;
	[tilespmem:$0x1F400] =	vst v63  }
0x72: {  	s7 =	simm.s32 $0x788  }
0x73: {  	[tilespmem:s17], [sflag:$0x1] =	stream.indirect.gather [hbm4b:s3+s12], $0x40, s7, s12, $0xb8;
	[tilespmem:$0x1F400] =	vst v63  }
0x74: {  	s4 =	simm.s32 $0x7D0  }
0x75: {  	[tilespmem:s19], [sflag:$0x1] =	stream.indirect.gather [hbm4b:s3+s10], $0x40, s4, s10, $0xb8;
	[tilespmem:$0x1F400] =	vst v63  }
0x76: {  	s6 =	simm.s32 $0x850  }
0x77: {  	[tilespmem:s21], [sflag:$0x1] =	stream.indirect.gather [hbm4b:s3+s12], $0x40, s6, s12, $0xb8;
	[tilespmem:$0x1F400] =	vst v63  }
0x78: {  	s7 =	simm.s32 $0x898  }
0x79: {  	[tilespmem:s23], [sflag:$0x1] =	stream.indirect.gather [hbm4b:s3+s10], $0x40, s7, s10, $0xb8;
	[tilespmem:$0x1F400] =	vst v63  }
0x7a: {  	s4 =	simm.s32 $0x918  }
0x7b: {  	[tilespmem:s25], [sflag:$0x1] =	stream.indirect.gather [hbm4b:s3+s12], $0x40, s4, s12, $0xb8;
	[tilespmem:$0x1F400] =	vst v63  }
0x7c: {  	_ =	swait.ge [sflag:s26], $0x2000  }
0x7d: {  	[sflag:s26] =	ssyncset.done $0x0  }
0x7e: {  	[sflag:s26] =	ssyncadd.s32 $0xFFFFE000  }
0x7f: {  	_ =	swait.ge [sflag:s26], $0x1200  }
0x80: {  	[sflag:s26] =	ssyncset.done $0x0  }
0x81: {  	[sflag:s26] =	ssyncadd.s32 $0xFFFFEE00  }
0x82: {  	_ =	swait.ge [sflag:s26], $0x2000  }
0x83: {  	[sflag:s26] =	ssyncset.done $0x0  }
0x84: {  	[sflag:s26] =	ssyncadd.s32 $0xFFFFE000  }
0x85: {  	_ =	swait.ge [sflag:s26], $0x1200  }
0x86: {  	[sflag:s26] =	ssyncset.done $0x0  }
0x87: {  	[sflag:s26] =	ssyncadd.s32 $0xFFFFEE00  }
0x88: {  	_ =	swait.ge [sflag:s26], $0x2000  }
0x89: {  	[sflag:s26] =	ssyncset.done $0x0  }
0x8a: {  	[sflag:s26] =	ssyncadd.s32 $0xFFFFE000  }
0x8b: {  	_ =	swait.ge [sflag:s26], $0x1200  }
0x8c: {  	[sflag:s26] =	ssyncset.done $0x0  }
0x8d: {  	[sflag:s26] =	ssyncadd.s32 $0xFFFFEE00  }
0x8e: {  	_ =	swait.ge [sflag:s26], $0x2000  }
0x8f: {  	[sflag:s26] =	ssyncset.done $0x0  }
0x90: {  	[sflag:s26] =	ssyncadd.s32 $0xFFFFE000  }
0x91: {  	_ =	swait.ge [sflag:s26], $0x1200  }
0x92: {  	[sflag:s26] =	ssyncset.done $0x0  }
0x93: {  	[sflag:s26] =	ssyncadd.s32 $0xFFFFEE00  }
0x94: {  	[hbm4b:s8+s28] =	stream.strided.scatter [tilespmem:s11], [sflag:$0x2], $0xC800, s10, s28, $0x38;
	[tilespmem:$0x1F400] =	vst v63  }
0x95: {  	_ =	swait.ge [sflag:s31], $0xC800  }
0x96: {  	[sflag:s31] =	ssyncset.done $0x0  }
0x97: {  	s6 =	simm.s32 $0x960;
	[sflag:s31] =	ssyncadd.s32 $0xFFFF3800  }
0x98: {  	[tilespmem:s30], [sflag:$0x1] =	stream.indirect.gather [hbm4b:s3+s10], $0x40, s6, s10, $0xb8;
	[tilespmem:$0x1F400] =	vst v63  }
0x99: {  	s7 =	simm.s32 $0x9E0  }
0x9a: {  	[tilespmem:s1], [sflag:$0x1] =	stream.indirect.gather [hbm4b:s3+s12], $0x40, s7, s12, $0xb8;
	[tilespmem:$0x1F400] =	vst v63  }
0x9b: {  	s4 =	simm.s32 $0xA28  }
0x9c: {  	[tilespmem:s14], [sflag:$0x1] =	stream.indirect.gather [hbm4b:s3+s10], $0x40, s4, s10, $0xb8;
	[tilespmem:$0x1F400] =	vst v63  }
0x9d: {  	s6 =	simm.s32 $0xAA8  }
0x9e: {  	[tilespmem:s18], [sflag:$0x1] =	stream.indirect.gather [hbm4b:s3+s12], $0x40, s6, s12, $0xb8;
	[tilespmem:$0x1F400] =	vst v63  }
0x9f: {  	s7 =	simm.s32 $0xAF0  }
0xa0: {  	[tilespmem:s22], [sflag:$0x1] =	stream.indirect.gather [hbm4b:s3+s10], $0x40, s7, s10, $0xb8;
	[tilespmem:$0x1F400] =	vst v63  }
0xa1: {  	s4 =	simm.s32 $0xB70  }
0xa2: {  	[tilespmem:s29], [sflag:$0x1] =	stream.indirect.gather [hbm4b:s3+s12], $0x40, s4, s12, $0xb8;
	[tilespmem:$0x1F400] =	vst v63  }
0xa3: {  	s6 =	simm.s32 $0xBB8  }
0xa4: {  	[tilespmem:s0], [sflag:$0x1] =	stream.indirect.gather [hbm4b:s3+s10], $0x40, s6, s10, $0xb8;
	[tilespmem:$0x1F400] =	vst v63  }
0xa5: {  	s7 =	simm.s32 $0xC38  }
0xa6: {  	[tilespmem:s20], [sflag:$0x1] =	stream.indirect.gather [hbm4b:s3+s12], $0x40, s7, s12, $0xb8;
	[tilespmem:$0x1F400] =	vst v63  }
0xa7: {  	_ =	swait.ge [sflag:s26], $0x2000  }
0xa8: {  	[sflag:s26] =	ssyncset.done $0x0  }
0xa9: {  	[sflag:s26] =	ssyncadd.s32 $0xFFFFE000  }
0xaa: {  	_ =	swait.ge [sflag:s26], $0x1200  }
0xab: {  	[sflag:s26] =	ssyncset.done $0x0  }
0xac: {  	[sflag:s26] =	ssyncadd.s32 $0xFFFFEE00  }
0xad: {  	_ =	swait.ge [sflag:s26], $0x2000  }
0xae: {  	[sflag:s26] =	ssyncset.done $0x0  }
0xaf: {  	[sflag:s26] =	ssyncadd.s32 $0xFFFFE000  }
0xb0: {  	_ =	swait.ge [sflag:s26], $0x1200  }
0xb1: {  	[sflag:s26] =	ssyncset.done $0x0  }
0xb2: {  	[sflag:s26] =	ssyncadd.s32 $0xFFFFEE00  }
0xb3: {  	_ =	swait.ge [sflag:s26], $0x2000  }
0xb4: {  	[sflag:s26] =	ssyncset.done $0x0  }
0xb5: {  	[sflag:s26] =	ssyncadd.s32 $0xFFFFE000  }
0xb6: {  	_ =	swait.ge [sflag:s26], $0x1200  }
0xb7: {  	[sflag:s26] =	ssyncset.done $0x0  }
0xb8: {  	[sflag:s26] =	ssyncadd.s32 $0xFFFFEE00  }
0xb9: {  	_ =	swait.ge [sflag:s26], $0x2000  }
0xba: {  	[sflag:s26] =	ssyncset.done $0x0  }
0xbb: {  	[sflag:s26] =	ssyncadd.s32 $0xFFFFE000  }
0xbc: {  	_ =	swait.ge [sflag:s26], $0x1200  }
0xbd: {  	s2 =	simm.s32 $0x1900;
	[sflag:s26] =	ssyncset.done $0x0  }
0xbe: {  	s4 =	sadd.s32 $0x6400, s8;
	s6 =	sadd.s32 $0x3200, s8;
	[sflag:s26] =	ssyncadd.s32 $0xFFFFEE00  }
.LBB2_2:
0xbf: {  	[hbm4b:s6+s28] =	stream.strided.scatter [tilespmem:s30], [sflag:$0x3], $0xC800, s10, s28, $0x38;
	[tilespmem:$0x1F400] =	vst v63  }
0xc0: {  	s6 =	smov.u32 s2  }
0xc1: {  	p0 =	sne.s32 s2, $0x15E00;
	s2 =	sadd.s32 $0x1900, s2;
	_ =	swait.ge [sflag:s24], $0xC800  }
0xc2: {  	s6 =	sshra.s32 s6, $0x2;
	[sflag:s24] =	ssyncset.done $0x0  }
0xc3: {  	s7 =	sadd.s32 $0x640, s6;
	[sflag:s24] =	ssyncadd.s32 $0xFFFF3800  }
0xc4: {  	[tilespmem:s11], [sflag:$0x1] =	stream.indirect.gather [hbm4b:s3+s10], $0x40, s7, s10, $0xb8;
	[tilespmem:$0x1F400] =	vst v63  }
0xc5: {  	s7 =	sadd.s32 $0x6C0, s6  }
0xc6: {  	[tilespmem:s13], [sflag:$0x1] =	stream.indirect.gather [hbm4b:s3+s12], $0x40, s7, s12, $0xb8;
	[tilespmem:$0x1F400] =	vst v63  }
0xc7: {  	s7 =	sadd.s32 $0x708, s6  }
0xc8: {  	[tilespmem:s15], [sflag:$0x1] =	stream.indirect.gather [hbm4b:s3+s10], $0x40, s7, s10, $0xb8;
	[tilespmem:$0x1F400] =	vst v63  }
0xc9: {  	s7 =	sadd.s32 $0x788, s6  }
0xca: {  	[tilespmem:s17], [sflag:$0x1] =	stream.indirect.gather [hbm4b:s3+s12], $0x40, s7, s12, $0xb8;
	[tilespmem:$0x1F400] =	vst v63  }
0xcb: {  	s7 =	sadd.s32 $0x7D0, s6  }
0xcc: {  	[tilespmem:s19], [sflag:$0x1] =	stream.indirect.gather [hbm4b:s3+s10], $0x40, s7, s10, $0xb8;
	[tilespmem:$0x1F400] =	vst v63  }
0xcd: {  	s7 =	sadd.s32 $0x850, s6  }
0xce: {  	[tilespmem:s21], [sflag:$0x1] =	stream.indirect.gather [hbm4b:s3+s12], $0x40, s7, s12, $0xb8;
	[tilespmem:$0x1F400] =	vst v63  }
0xcf: {  	s7 =	sadd.s32 $0x898, s6  }
0xd0: {  	[tilespmem:s23], [sflag:$0x1] =	stream.indirect.gather [hbm4b:s3+s10], $0x40, s7, s10, $0xb8;
	[tilespmem:$0x1F400] =	vst v63  }
0xd1: {  	s7 =	sadd.s32 $0x918, s6  }
0xd2: {  	[tilespmem:s25], [sflag:$0x1] =	stream.indirect.gather [hbm4b:s3+s12], $0x40, s7, s12, $0xb8;
	[tilespmem:$0x1F400] =	vst v63  }
0xd3: {  	_ =	swait.ge [sflag:s26], $0x2000  }
0xd4: {  	[sflag:s26] =	ssyncset.done $0x0  }
0xd5: {  	[sflag:s26] =	ssyncadd.s32 $0xFFFFE000  }
0xd6: {  	_ =	swait.ge [sflag:s26], $0x1200  }
0xd7: {  	[sflag:s26] =	ssyncset.done $0x0  }
0xd8: {  	[sflag:s26] =	ssyncadd.s32 $0xFFFFEE00  }
0xd9: {  	_ =	swait.ge [sflag:s26], $0x2000  }
0xda: {  	[sflag:s26] =	ssyncset.done $0x0  }
0xdb: {  	[sflag:s26] =	ssyncadd.s32 $0xFFFFE000  }
0xdc: {  	_ =	swait.ge [sflag:s26], $0x1200  }
0xdd: {  	[sflag:s26] =	ssyncset.done $0x0  }
0xde: {  	[sflag:s26] =	ssyncadd.s32 $0xFFFFEE00  }
0xdf: {  	_ =	swait.ge [sflag:s26], $0x2000  }
0xe0: {  	[sflag:s26] =	ssyncset.done $0x0  }
0xe1: {  	[sflag:s26] =	ssyncadd.s32 $0xFFFFE000  }
0xe2: {  	_ =	swait.ge [sflag:s26], $0x1200  }
0xe3: {  	[sflag:s26] =	ssyncset.done $0x0  }
0xe4: {  	[sflag:s26] =	ssyncadd.s32 $0xFFFFEE00  }
0xe5: {  	_ =	swait.ge [sflag:s26], $0x2000  }
0xe6: {  	[sflag:s26] =	ssyncset.done $0x0  }
0xe7: {  	[sflag:s26] =	ssyncadd.s32 $0xFFFFE000  }
0xe8: {  	_ =	swait.ge [sflag:s26], $0x1200  }
0xe9: {  	[sflag:s26] =	ssyncset.done $0x0  }
0xea: {  	[sflag:s26] =	ssyncadd.s32 $0xFFFFEE00  }
0xeb: {  	[hbm4b:s4+s28] =	stream.strided.scatter [tilespmem:s11], [sflag:$0x2], $0xC800, s10, s28, $0x38;
	[tilespmem:$0x1F400] =	vst v63  }
0xec: {  	_ =	swait.ge [sflag:s31], $0xC800  }
0xed: {  	[sflag:s31] =	ssyncset.done $0x0  }
0xee: {  	s7 =	sadd.s32 $0x960, s6;
	[sflag:s31] =	ssyncadd.s32 $0xFFFF3800  }
0xef: {  	[tilespmem:s30], [sflag:$0x1] =	stream.indirect.gather [hbm4b:s3+s10], $0x40, s7, s10, $0xb8;
	[tilespmem:$0x1F400] =	vst v63  }
0xf0: {  	s7 =	sadd.s32 $0x9E0, s6  }
0xf1: {  	[tilespmem:s1], [sflag:$0x1] =	stream.indirect.gather [hbm4b:s3+s12], $0x40, s7, s12, $0xb8;
	[tilespmem:$0x1F400] =	vst v63  }
0xf2: {  	s7 =	sadd.s32 $0xA28, s6  }
0xf3: {  	[tilespmem:s14], [sflag:$0x1] =	stream.indirect.gather [hbm4b:s3+s10], $0x40, s7, s10, $0xb8;
	[tilespmem:$0x1F400] =	vst v63  }
0xf4: {  	s7 =	sadd.s32 $0xAA8, s6  }
0xf5: {  	[tilespmem:s18], [sflag:$0x1] =	stream.indirect.gather [hbm4b:s3+s12], $0x40, s7, s12, $0xb8;
	[tilespmem:$0x1F400] =	vst v63  }
0xf6: {  	s7 =	sadd.s32 $0xAF0, s6  }
0xf7: {  	[tilespmem:s22], [sflag:$0x1] =	stream.indirect.gather [hbm4b:s3+s10], $0x40, s7, s10, $0xb8;
	[tilespmem:$0x1F400] =	vst v63  }
0xf8: {  	s7 =	sadd.s32 $0xB70, s6  }
0xf9: {  	[tilespmem:s29], [sflag:$0x1] =	stream.indirect.gather [hbm4b:s3+s12], $0x40, s7, s12, $0xb8;
	[tilespmem:$0x1F400] =	vst v63  }
0xfa: {  	s7 =	sadd.s32 $0xBB8, s6  }
0xfb: {  	[tilespmem:s0], [sflag:$0x1] =	stream.indirect.gather [hbm4b:s3+s10], $0x40, s7, s10, $0xb8;
	[tilespmem:$0x1F400] =	vst v63  }
0xfc: {  	s6 =	sadd.s32 $0xC38, s6  }
0xfd: {  	[tilespmem:s20], [sflag:$0x1] =	stream.indirect.gather [hbm4b:s3+s12], $0x40, s6, s12, $0xb8;
	[tilespmem:$0x1F400] =	vst v63  }
0xfe: {  	_ =	swait.ge [sflag:s26], $0x2000  }
0xff: {  	[sflag:s26] =	ssyncset.done $0x0  }
0x100: {  	[sflag:s26] =	ssyncadd.s32 $0xFFFFE000  }
0x101: {  	_ =	swait.ge [sflag:s26], $0x1200  }
0x102: {  	[sflag:s26] =	ssyncset.done $0x0  }
0x103: {  	[sflag:s26] =	ssyncadd.s32 $0xFFFFEE00  }
0x104: {  	_ =	swait.ge [sflag:s26], $0x2000  }
0x105: {  	[sflag:s26] =	ssyncset.done $0x0  }
0x106: {  	[sflag:s26] =	ssyncadd.s32 $0xFFFFE000  }
0x107: {  	_ =	swait.ge [sflag:s26], $0x1200  }
0x108: {  	[sflag:s26] =	ssyncset.done $0x0  }
0x109: {  	[sflag:s26] =	ssyncadd.s32 $0xFFFFEE00  }
0x10a: {  	_ =	swait.ge [sflag:s26], $0x2000  }
0x10b: {  	[sflag:s26] =	ssyncset.done $0x0  }
0x10c: {  	[sflag:s26] =	ssyncadd.s32 $0xFFFFE000  }
0x10d: {  	_ =	swait.ge [sflag:s26], $0x1200  }
0x10e: {  	[sflag:s26] =	ssyncset.done $0x0  }
0x10f: {  	[sflag:s26] =	ssyncadd.s32 $0xFFFFEE00  }
0x110: {  	_ =	swait.ge [sflag:s26], $0x2000  }
.Ltmp0:
0x111: {  	[sflag:s26] =	ssyncset.done $0x0;
	(pc) =	sbr.rel @p0 .LBB2_2-.Ltmp0, $4  }
0x112: {  	[sflag:s26] =	ssyncadd.s32 $0xFFFFE000  }
0x113: {  	_ =	swait.ge [sflag:s26], $0x1200  }
0x114: {  	[sflag:s26] =	ssyncset.done $0x0  }
0x115: {  	s6 =	sadd.s32 $0x3200, s4;
	s4 =	sadd.s32 $0x6400, s4;
	[sflag:s26] =	ssyncadd.s32 $0xFFFFEE00  }
0x116: {  	[hbm4b:s6+s28] =	stream.strided.scatter [tilespmem:s30], [sflag:$0x3], $0xC800, s10, s28, $0x38;
	[tilespmem:$0x1F400] =	vst v63  }
0x117: {  	_ =	swait.ge [sflag:s24], $0xC800  }
0x118: {  	[sflag:s24] =	ssyncset.done $0x0  }
0x119: {  	[sflag:s24] =	ssyncadd.s32 $0xFFFF3800  }
0x11a: {  	_ =	swait.ge [sflag:s31], $0xC800  }
0x11b: {  	s16 =	sadd.s32 $0x1, s16;
	s2 =	rddreg [dreg:$0x5]  }
0x11c: {  	p0 =	sne.s32 s16, s2  }
.Ltmp1:
0x11d: {  	_ = 	snop;
	(pc) =	sbr.rel @p0 .LBB2_1-.Ltmp1, $3  }
0x11e: {  	_ =	sdelay $0x1  }
0x11f: {  	[sflag:s31] =	ssyncset.done $0x0  }
0x120: {  	[sflag:s31] =	ssyncadd.s32 $0xFFFF3800  }
0x121: {  	_ =	sfence.sel $0x180000  }
0x122: {  	[bflag:$0x0] =	sbarrier.arrive $0xFFFF  }
0x123: {  	_ =	strace $0x90000047  }
0x124: {  	s0 =	stileid.u32;
	[bflag:$0x2] =	sbarrier.arrive $0xFFFF  }
0x125: {  	p0 =	sne.s32 s0, $0x0;
	s0 =	rddreg [dreg:$0x2]  }
0x126: {  	s0 =	sadd.s32 @!p0 $0x100000, s0  }
0x127: {  	[sflag:s0] =	ssyncadd.tile.s32 @!p0 $0x1;
	_ =	shalt  }
.Lfunc_end2:
_tile_overlayer_lowered:
.L_overlay_start_2:
0x128: {  	(tag) =	ssettag $0x2  }
0x129: {  	s0 =	rddreg [dreg:$0x0];
	s2 =	stileid.u32  }
0x12a: {  	s1 =	rddreg [dreg:$0x1];
	p0 =	sne.s32 s2, $0x0  }
0x12b: {  	s3 =	rddreg [dreg:$0x2];
	[bflag:$0x3] =	sbarrier.arrive $0xFFFF;
	s2 =	simm.s32 @!p0 $0x1C04  }
0x12c: {  	[timem:s3], [sflag:s2] =	dma.local @!p0 [hbm:s0], s1  }
0x12d: {  	s0 =	simm.s32 @!p0 $0x4  }
0x12e: {  	_ =	swait.ge @!p0 [sflag:s0], s1  }
0x12f: {  	s1 =	ssub.s32 @!p0 $0x0, s1;
	[sflag:s0] =	ssyncset.done @!p0 $0x0  }
0x130: {  	[sflag:s0] =	ssyncadd.s32 @!p0 s1  }
0x131: {  	[bflag:$0x3] =	sbarrier.arrive $0xFFFF  }
0x132: {  	_ =	shalt  }

// kernel: sparse-core-data-format-call.cloned.1.call-start
scs
called_computation_lowered:
.L_overlay_start_0:
0x0: {  	s2 =	sld [smem:$0x3FD9]  }
0x1: {  	s3 =	sld [smem:$0x3FFE];
	_ =	sdelay $0x1  }
0x2: {  	s1 =	srdreg.scid  }
0x3: {  	s0 =	sand.u32 $0x1, s1  }
0x4: {  	s18 =	sshll.u32 s0, $0xA;
	s2 =	sadd.s32 s3, s2  }
0x5: {  	s2 =	sadd.s32 s2, s18  }
0x6: {  	[smem:$0x3FC6] =	sst s2  }
0x7: {  	_ = 	snop  }
0x8: {  	s2 =	sld [smem:$0x3FD0];
	(tm) =	ssettm $0x1  }
0x9: {  	s19 =	sld [smem:$0x3FFB];
	_ =	sdelay $0x3  }
0xa: {  	_ =	strace s19  }
0xb: {  	s3 =	sld [smem:$0x3FFC];
	_ =	sdelay $0x3  }
0xc: {  	_ =	strace s3  }
0xd: {  	s3 =	sld [smem:$0x3FFD];
	_ =	sdelay $0x3  }
0xe: {  	_ =	strace s3  }
0xf: {  	_ =	strace $0x8FFFFFFF  }
0x10: {  	s20 =	sld [smem:$0x3FDB];
	_ =	sdelay $0x1  }
0x11: {  	s4 =	simm.s32 $_scs_section_size  }
0x12: {  	s5 =	simm.s32 $_size__tile_overlayer_lowered;
	s6 =	simm.s32 $_tile_overlayer_lowered  }
0x13: {  	s23 =	simm.s32 $0x1BFF;
	s22 =	sshll.u32 s6, $0x1;
	s3 =	sadd.s32 s4, s20  }
0x14: {  	s7 =	simm.s32 $0x0;
	s21 =	sshll.u32 s5, $0x1;
	s5 =	sadd.s32 s22, s3  }
0x15: {  	[timem:s7], [sflag:s23] =	dma.local [hbm:s5], s21  }
0x16: {  	_ =	swait.ge [sflag:s23], s21  }
0x17: {  	s4 =	ssub.s32 $0x0, s21;
	[sflag:s23] =	ssyncset.done $0x0  }
0x18: {  	[sflag:s23] =	ssyncadd.s32 s4;
	_ =	sdelay $0x1  }
0x19: {  	s24 =	simm.s32 $0x1B8B  }
0x1a: {  	_ =	swait.ge [sflag:s24], $0x1  }
0x1b: {  	[sflag:s24] =	ssyncset.done $0x0  }
0x1c: {  	s26 =	simm.s32 $0x1B8E;
	s25 =	sld [smem:$0x3FFE];
	[sflag:s24] =	ssyncadd.s32 $0xFFFFFFFF  }
0x1d: {  	s27 =	simm.s32 $execute0_lowered;
	[smem:$0x3FD2] =	sst s26  }
0x1e: {  	s5 =	sshll.u32 s27, $0x1;
	_ =	strace $0x80000049;
	[dreg:$0x1] =	wrdreg $0xFFFFFFFF  }
0x1f: {  	s28 =	simm.s32 $_size_execute0_lowered;
	s3 =	sadd.s32 s3, s5;
	[dreg:$0x0] =	wrdreg $0x0  }
0x20: {  	s5 =	sshll.u32 s28, $0x1;
	[dreg:$0x2] =	wrdreg s3  }
0x21: {  	[dreg:$0x3] =	wrdreg s5  }
0x22: {  	[dreg:$0x4] =	wrdreg $0xC0  }
0x23: {  	_ =	task [dreg:s7], $0x5FFFF  }
0x24: {  	[dreg:$0x1] =	wrdreg $0xFFFFFFFF  }
0x25: {  	[dreg:$0x0] =	wrdreg $0x60  }
0x26: {  	[dreg:$0x2] =	wrdreg s25  }
0x27: {  	[dreg:$0x3] =	wrdreg s2  }
0x28: {  	[dreg:$0x4] =	wrdreg $0x9  }
0x29: {  	_ =	task.clear_ibuf [dreg:s7], $0x5FFFF;
	_ =	strace $0x90000049  }
0x2a: {  	s29 =	simm.s32 $0x9;
	_ =	strace $0x8000004B  }
0x2b: {  	_ =	swait.ge [sflag:s29], $0x1  }
0x2c: {  	[sflag:s29] =	ssyncadd.s32 $0xFFFFFFFF  }
0x2d: {  	_ =	strace $0x9000004B  }
0x2e: {  	_ =	sfence  }
0x2f: {  	s30 =	sld [smem:$0x0];
	_ =	sdelay $0x2  }
0x30: {  	s31 =	sshll.u32 s1, $0xD;
	s1 =	sshrl.u32 s1, $0x2  }
0x31: {  	s3 =	sand.u32 $0x4000, s31;
	s1 =	sadd.s32 s1, s30  }
0x32: {  	s0 =	sor.u32 s3, s0;
	s1 =	sshll.u32 s1, $0x11  }
0x33: {  	s0 =	sor.u32 s1, s0  }
0x34: {  	s0 =	sadd.s32 $0x8F2B, s0  }
0x35: {  	[sflag:s0] =	ssyncadd.remote.s32 $0x1  }
0x36: {  	_ =	sfence.sel $0xFFFF  }
0x37: {  	[dreg:$0x0] =	wrdreg $0xFFFFFFFF;
	(pc) =	sbr.abs _section_cstart, $3  }
0x38: {  	[dreg:$0x1] =	wrdreg $0xFFFFFFFF  }
0x39: {  	_ =	task.clear_ibuf [dreg:s7], $0x2FFFF;
	_ =	strace $0x9FFFFFFF  }
0x3a: {  	(tm) =	ssettm $0x7FFFFFFF  }
0x3b: {  	_ =	shalt  }
tec
execute0_lowered:
.L_overlay_start_1:
0x0: {  	(tag) =	ssettag $0x1  }
0x1: {  	s0 =	srdreg.scid  }
0x2: {  	s1 =	sshll.u32 s0, $0x4  }
0x3: {  	s0 =	stileid.u32;
	s1 =	sand.u32 $0x10, s1  }
0x4: {  	s1 =	sor.u32 s0, s1  }
0x5: {  	s6 =	rddreg [dreg:$0x0];
	s4 =	simm.s32 $0x1;
	s2 =	sshll.u32 s1, $0x7  }
0x6: {  	s7 =	simm.s32 $0x2;
	s12 =	simm.s32 $0x0;
	s1 =	ssub.s32 $0x1000, s2  }
0x7: {  	s8 =	simm.s32 $0x8000;
	s13 =	simm.s32 $0x0;
	s3 =	sand.u32 $0xF80, s1  }
0x8: {  	s9 =	simm.s32 $0x0;
	s5 =	sshrl.u32 s1, $0xC;
	p0 =	sne.s32 s3, $0x0  }
.Ltmp0:
0x9: {  	s1 =	rddreg [dreg:$0x2];
	s4 =	simm.s32 @!p0 $0x0;
	(pc) =	sbr.rel .LBB1_1-.Ltmp0, $4  }
0xa: {  	s11 =	simm.s32 $0x0;
	s3 =	rddreg [dreg:$0x1];
	s5 =	sadd.s32 s4, s5  }
0xb: {  	_ =	strace $0x8000004A;
	s4 =	simm.s32 $0x1;
	s5 =	smul.u32 $0xC8, s5  }
0xc: {  	s6 =	sadd.s32 $0xA00, s6;
	s10 =	smov.u32 s2;
	[sflag:s4] =	ssyncpa.u1 $0x0  }
0xd: {  	p0 =	por $0x0, $0x0;
	[sflag:s7] =	ssyncpa.u1 $0x0;
	s7 =	sor.u32 $0x1, s5  }
.LBB1_4:
0xe: {  	s16 =	sshll.u32 s13, $0x3;
	s17 =	sand.u32 $0x78, s13  }
0xf: {  	s30 =	sand.u32 $0x7E00, s13;
	s12 =	sshll.u32 s12, $0xF;
	s16 =	sand.u32 $0xC00, s16  }
0x10: {  	[tilespmem:s15+$0x810 ss:$0x81] =	vst.msk $0xffff, v2;
	s31 =	sand.u32 $0x7, s13;
	s16 =	sor.u32 s17, s16;
	s17 =	sadd.s32 s3, s30  }
0x11: {  	[tilespmem:s15+$0x1020 ss:$0x81] =	vst.msk $0xffff, v0;
	s13 =	sshll.u32 s31, $0x12;
	s12 =	sadd.s32 s12, s17;
	s16 =	sshrl.u32 s16, $0x3  }
0x12: {  	[tilespmem:s15+$0x0 ss:$0x81] =	vst.msk $0xffff, v1;
	s13 =	sor.u32 $0x400, s13;
	s12 =	sadd.s32 s16, s12  }
0x13: {  	[hbm4b:s12+s13] =	stream.strided.scatter [tilespmem:s14], [sflag:$0x2], $0x2000, s8, s13, $0x20;
	[tilespmem:$0x8080] =	vst v63  }
.LBB1_5:
0x14: {  	s14 =	sadd.s32 $0x1, s9  }
0x15: {  	s12 =	sadd.s32 $0x1000, s10;
	s16 =	smov.u32 s10;
	p2 =	sgt.s32 s14, $0xC7  }
0x16: {  	s16 =	smov.u32 @p2 s12  }
0x17: {  	s14 =	simm.s32 @p2 $0x0;
	p2 =	sgt.s32 s16, $0xFFF  }
0x18: {  	s16 =	smov.u32 @p2 s2;
	p2 =	sne.s32 s11, s7  }
.Ltmp1:
0x19: {  	p1 =	slt.u32 s11, $0x2;
	(pc) =	sbr.rel @!p2 .LBB1_6-.Ltmp1, $4  }
0x1a: {  	s15 =	simm.s32 @!p1 $0x2  }
0x1b: {  	s13 =	smov.u32 s10;
	p0 =	por !p0, !p0;
	_ =	swait.ge @!p1 [sflag:s15], $0x2000  }
0x1c: {  	s12 =	smov.u32 s9;
	[sflag:s15] =	ssyncset.done @!p1 $0x0;
	s9 =	smov.u32 s14  }
0x1d: {  	s11 =	sadd.s32 $0x1, s11;
	[sflag:s15] =	ssyncadd.s32 @!p1 $0xFFFFE000;
	s10 =	smov.u32 s16  }
.LBB1_1:
0x1e: {  	p1 =	sge.u32 s11, s5  }
0x1f: {  	s14 =	sand.u32 @!p1 $0x1FFFFFF, s9  }
0x20: {  	s15 =	smulhi.u32 @!p1 $0x147AE15, s14;
	_ =	sdelay $0x1  }
0x21: {  	s15 =	smul.u32 @!p1 $0xC8, s15  }
0x22: {  	s16 =	sxor.u32 @!p1 $0xFFFFFFFF, s11;
	s17 =	smul.u32 @!p1 $0xC80, s10  }
0x23: {  	s31 =	sadd.s32 $0xFFFFFFFF, s11;
	s16 =	sshll.u32 @!p1 s16, $0xD;
	s14 =	ssub.s32 @!p1 s14, s15  }
0x24: {  	s15 =	sand.u32 @!p1 $0x2000, s16;
	s16 =	sadd.s32 @!p1 s6, s17;
	s14 =	sshll.u32 @!p1 s14, $0x4  }
0x25: {  	s17 =	simm.s32 @!p1 $0x6400;
	s14 =	sadd.s32 @!p1 s14, s16;
	s16 =	simm.s32 @!p1 $0x40  }
0x26: {  	[tilespmem:s15], [sflag:$0x1] =	stream.strided.gather @!p1 [hbm4b:s14+s16], $0x2000, s17, s16, $0x38;
	[tilespmem:$0x8080] =	vst v63  }
0x27: {  	p1 =	sge.u32 s31, s5  }
.Ltmp2:
0x28: {  	_ = 	snop;
	(pc) =	sbr.rel @p1 .LBB1_5-.Ltmp2, $1  }
0x29: {  	_ =	sdelay $0x3  }
0x2a: {  	s14 =	simm.s32 $0x1  }
0x2b: {  	_ =	swait.ge [sflag:s4], $0x2000;
	s14 =	simm.s32 @!p0 $0x0  }
0x2c: {  	[sflag:s4] =	ssyncset.done $0x0;
	s15 =	sshll.u32 s14, $0xD  }
0x2d: {  	[sflag:s4] =	ssyncadd.s32 $0xFFFFE000;
	s18 =	sor.u32 $0x20, s15  }
0x2e: {  	s14 =	smul.u32 $0x8100, s14;
	v3 =	vld [tilespmem:s18+$0x10]  }
0x2f: {  	s30 =	sand.u32 $0x1, s11;
	v2 =	vld [tilespmem:s18+$0xFFFFFFF0]  }
0x30: {  	s15 =	smul.u32 $0x8100, s30;
	s14 =	sshrl.u32 s14, $0x2;
	v0 =	vld [tilespmem:s18+$0x0]  }
0x31: {  	v1 =	vld [tilespmem:s18+$0xFFFFFFE0];
	s16 =	sor.u32 $0x4000, s14  }
0x32: {  	s31 =	sshrl.u32 s15, $0x2;
	s15 =	sadd.s32 $0x0, s16  }
0x33: {  	s17 =	simm.s32 $0x4;
	s18 =	sadd.s32 $0x40, s18;
	s14 =	sor.u32 $0x4000, s31;
	[tilespmem:s15+$0x1830 ss:$0x81] =	vst.msk $0xffff, v3  }
.LBB1_3:
0x34: {  	v3 =	vld [tilespmem:s18+$0x10];
	p1 =	sne.s32 s17, $0x1FC;
	[tilespmem:s15+$0x810 ss:$0x81] =	vst.msk $0xffff, v2;
	s19 =	smov.u32 s17;
	s17 =	sadd.s32 $0x4, s17  }
.Ltmp3:
0x35: {  	v2 =	vld [tilespmem:s18+$0xFFFFFFF0];
	[tilespmem:s15+$0x1020 ss:$0x81] =	vst.msk $0xffff, v0;
	(pc) =	sbr.rel @p1 .LBB1_3-.Ltmp3, $4  }
0x36: {  	v0 =	vld [tilespmem:s18+$0x0];
	[tilespmem:s15+$0x0 ss:$0x81] =	vst.msk $0xffff, v1  }
0x37: {  	s15 =	sshra.s32 s19, $0x2;
	v1 =	vld [tilespmem:s18+$0xFFFFFFE0]  }
0x38: {  	s15 =	sadd.s32 s15, s16  }
0x39: {  	s18 =	sadd.s32 $0x40, s18;
	[tilespmem:s15+$0x1830 ss:$0x81] =	vst.msk $0xffff, v3  }
.Ltmp4:
0x3a: {  	_ = 	snop;
	(pc) =	sbr.rel .LBB1_4-.Ltmp4, $1  }
0x3b: {  	_ =	sdelay $0x3  }
.LBB1_6:
0x3c: {  	_ =	sfence.sel $0x180000  }
0x3d: {  	s2 =	simm.s32 $0x1;
	[bflag:$0x0] =	sbarrier.arrive $0xFFFF  }
0x3e: {  	s31 =	simm.s32 $0x2;
	[sflag:s2] =	ssyncpa.u1 $0x1  }
0x3f: {  	[sflag:s31] =	ssyncpa.u1 $0x1  }
0x40: {  	p0 =	sne.s32 s0, $0x0;
	_ =	strace $0x9000004A  }
0x41: {  	s0 =	sadd.s32 @!p0 $0x100000, s1;
	[bflag:$0x2] =	sbarrier.arrive $0xFFFF  }
0x42: {  	[sflag:s0] =	ssyncadd.tile.s32 @!p0 $0x1;
	_ =	shalt  }
.Lfunc_end1:
_tile_overlayer_lowered:
.L_overlay_start_2:
0x43: {  	(tag) =	ssettag $0x2  }
0x44: {  	s0 =	rddreg [dreg:$0x0];
	s2 =	stileid.u32  }
0x45: {  	s1 =	rddreg [dreg:$0x1];
	p0 =	sne.s32 s2, $0x0  }
0x46: {  	s3 =	rddreg [dreg:$0x2];
	[bflag:$0x3] =	sbarrier.arrive $0xFFFF;
	s2 =	simm.s32 @!p0 $0x1C01  }
0x47: {  	[timem:s3], [sflag:s2] =	dma.local @!p0 [hbm:s0], s1  }
0x48: {  	s0 =	simm.s32 @!p0 $0x1  }
0x49: {  	_ =	swait.ge @!p0 [sflag:s0], s1  }
0x4a: {  	s1 =	ssub.s32 @!p0 $0x0, s1;
	[sflag:s0] =	ssyncset.done @!p0 $0x0  }
0x4b: {  	[sflag:s0] =	ssyncadd.s32 @!p0 s1  }
0x4c: {  	[bflag:$0x3] =	sbarrier.arrive $0xFFFF  }
0x4d: {  	_ =	shalt  }

</sc_bundles>
